<compile_context>
chip_gen: v7x
topology: tpu7x:2x2x1
jax: 0.10.2.dev20260603
libtpu: 0.0.44.dev20260713+nightly
codegen_flags: <defaults>
</compile_context>

<pallas_src>
import jax
import jax.numpy as jnp
from jax.experimental import pallas as pl
from jax.experimental.pallas import tpu as pltpu
from jax.experimental.pallas import tpu_sc as plsc

_ROWS = 32768
_HID = 768
_EXP = 8
_B = 4096

_LANES = 16
_COLS = 512


def _dense_block(w_ref, thr_ref, x_ref, st_ref, wn_ref):
    @pl.when(pl.program_id(0) == 0)
    def _():
        w = w_ref[...]
        wn = w / jnp.maximum(
            jnp.sqrt(jnp.sum(w * w, axis=0, keepdims=True)), 1e-12
        )
        wn_ref[...] = wn.astype(jnp.bfloat16)

    x = x_ref[...]
    ss = jnp.sum(x * x, axis=1, keepdims=True)
    xn = x / jnp.maximum(jnp.sqrt(ss), 1e-12)
    scores = jax.lax.dot_general(
        xn.astype(jnp.bfloat16), wn_ref[...],
        (((1,), (0,)), ((), ())),
        preferred_element_type=jnp.float32,
    )
    st_ref[...] = scores.T


def _dense_scores(hidden_states, sim_matrix, threshold):
    thr2 = threshold.reshape(1, 1)
    return pl.pallas_call(
        _dense_block,
        grid=(_ROWS // _B,),
        in_specs=[
            pl.BlockSpec((_HID, _EXP), lambda i: (0, 0)),
            pl.BlockSpec((1, 1), lambda i: (0, 0)),
            pl.BlockSpec((_B, _HID), lambda i: (i, 0)),
        ],
        out_specs=pl.BlockSpec((_EXP, _B), lambda i: (0, i)),
        out_shape=jax.ShapeDtypeStruct((_EXP, _ROWS), jnp.float32),
        scratch_shapes=[pltpu.VMEM((_HID, _EXP), jnp.bfloat16)],
        compiler_params=pltpu.CompilerParams(
            dimension_semantics=("arbitrary",),
        ),
    )(sim_matrix, thr2, hidden_states)


def _sc_tail(st, thr_arr):
    mesh = plsc.VectorSubcoreMesh(
        core_axis_name="core", subcore_axis_name="subcore"
    )

    @pl.kernel(
        out_type=[
            jax.ShapeDtypeStruct((_EXP, _ROWS), jnp.float32),
            jax.ShapeDtypeStruct((1, _ROWS), jnp.int32),
        ],
        mesh=mesh,
        scratch_types=[],
    )
    def tail_kernel(st_hbm, thr_hbm, rwt_hbm, kt_hbm):
        def body(st_vm, thr_vm, rwt_vm, kt_vm):
            t = thr_vm[0, :]

            @pl.loop(0, _COLS, step=_LANES)
            def _(c):
                sl = pl.ds(c, _LANES)
                e_list = []
                m_list = []
                for j in range(_EXP):
                    s_j = st_vm[j, sl]
                    m_j = jnp.where(s_j > t, 1.0, 0.0)
                    e_j = jnp.exp(s_j - 1.0) * m_j
                    m_list.append(m_j)
                    e_list.append(e_j)
                ssum = e_list[0]
                cnt = m_list[0]
                for j in range(1, _EXP):
                    ssum = ssum + e_list[j]
                    cnt = cnt + m_list[j]
                kt_vm[0, sl] = cnt.astype(jnp.int32)
                inv = 1.0 / ssum
                for j in range(_EXP):
                    rwt_vm[j, sl] = jnp.where(
                        cnt > 0.5, e_list[j] * inv, jnp.float32(0.125)
                    )

        pltpu.emit_pipeline(
            body,
            grid=(_ROWS // _COLS,),
            in_specs=[
                pl.BlockSpec((_EXP, _COLS), lambda i: (0, i)),
                pl.BlockSpec((1, _LANES), lambda i: (0, 0)),
            ],
            out_specs=[
                pl.BlockSpec((_EXP, _COLS), lambda i: (0, i)),
                pl.BlockSpec((1, _COLS), lambda i: (0, i)),
            ],
            core_axis_name=("core", "subcore"),
            dimension_semantics=(pltpu.PARALLEL,),
        )(st_hbm, thr_hbm, rwt_hbm, kt_hbm)

    return tail_kernel(st, thr_arr)


def kernel(hidden_states, sim_matrix, threshold):
    st = _dense_scores(hidden_states, sim_matrix, threshold)
    thr_arr = jnp.broadcast_to(threshold.reshape(1, 1), (1, _LANES))
    rwt, kt = _sc_tail(st, thr_arr)
    return rwt.T, st.T, kt.reshape(_ROWS)

# --- scband reference (transcript-rebuilt; emitter-appended) ---
"""Pipeline reference for scband-dynamic-top-kgate-33097017983630 (READ-ONLY COPY).

The authoritative reference and input builder live on the scoring server;
editing this copy changes nothing except your own understanding.
"""

import jax, jax.numpy as jnp
import numpy as np


def _normalize(x, axis):
    # faithful to torch.nn.functional.normalize(p=2, eps=1e-12)
    n = jnp.linalg.norm(x, axis=axis, keepdims=True)
    return x / jnp.maximum(n, 1e-12)


def setup_inputs(seed: int = 0) -> dict:
    key = jax.random.key(seed)
    k1, k2 = jax.random.split(key)
    hidden_states = jax.random.normal(k1, (32768, 768), dtype=jnp.float32)
    # learned parameters sized per init_kwargs: hidden_size=768, num_experts=8
    sim_matrix = jax.random.normal(k2, (768, 8), dtype=jnp.float32)
    threshold = jnp.zeros((1,), dtype=jnp.float32)
    return {"hidden_states": hidden_states, "sim_matrix": sim_matrix, "threshold": threshold}


def reference(hidden_states, sim_matrix, threshold):
    norm_hidden_states = _normalize(hidden_states, axis=-1)
    norm_sim_matrix = _normalize(sim_matrix, axis=0)
    scores = jnp.matmul(norm_hidden_states, norm_sim_matrix)
    activated_mask = scores > threshold
    k_per_token = activated_mask.sum(axis=-1)
    masked_scores = jnp.where(activated_mask, scores, jnp.float32(-1000000000.0))
    routing_weights = jax.nn.softmax(masked_scores, axis=-1)
    return (routing_weights, scores, k_per_token)

if __name__ == "__main__":
    import jax
    _d = setup_inputs()
    print(jax.jit(kernel)(*tuple(_d.values())))

</pallas_src>

<mosaic_0001>
#map = affine_map<(d0, d1) -> (0, 0)>
module attributes {stable_mosaic.version = 14 : i64} {
  func.func @tail_kernel(%arg0: i32, %arg1: i32, %arg2: memref<8x32768xf32, #tpu.memory_space<hbm>>, %arg3: memref<1x16xf32, #tpu.memory_space<hbm>>, %arg4: memref<8x32768xf32, #tpu.memory_space<hbm>>, %arg5: memref<1x32768xi32, #tpu.memory_space<hbm>>) attributes {dimension_semantics = [#tpu.dimension_semantics<core_parallel>, #tpu.dimension_semantics<subcore_parallel>], iteration_bounds = array<i64: 2, 16>, scalar_prefetch = 0 : i64, scratch_operands = 0 : i64, tpu.core_type = #tpu.core_type<sc_vector_subcore>, window_params = [{transform_indices = #map}, {transform_indices = #map}, {transform_indices = #map}, {transform_indices = #map}]} {
    %mul3A = arith.constant 1 : i32
    %mul3A_0 = arith.muli %arg1, %mul3A : i32
    %add3A = arith.constant 0 : i32
    %add3A_1 = arith.addi %add3A, %mul3A_0 : i32
    %mul3A_2 = arith.constant 16 : i32
    %mul3A_3 = arith.muli %arg0, %mul3A_2 : i32
    %add3A_4 = arith.addi %add3A_1, %mul3A_3 : i32
    %mul3A_5 = arith.constant 2 : i32
    %mul3A_6 = arith.muli %add3A_4, %mul3A_5 : i32
    "tpu.region"() ({
      %run_scoped3A = memref.alloca() : memref<2x8x512xf32, #tpu.memory_space<vmem>>
      %run_scoped3A_7 = tpu.sem_alloc : memref<2x!tpu.dma_semaphore, #tpu.memory_space<semaphore_mem>>
      %run_scoped3A_8 = memref.alloca() : memref<1x16xf32, #tpu.memory_space<vmem>>
      %run_scoped3A_9 = memref.alloca() : memref<2x8x512xf32, #tpu.memory_space<vmem>>
      %run_scoped3A_10 = tpu.sem_alloc : memref<2x!tpu.dma_semaphore, #tpu.memory_space<semaphore_mem>>
      %run_scoped3A_11 = memref.alloca() : memref<2x1x512xi32, #tpu.memory_space<vmem>>
      %run_scoped3A_12 = tpu.sem_alloc : memref<2x!tpu.dma_semaphore, #tpu.memory_space<semaphore_mem>>
      %add3A_13 = arith.constant 0 : i32
      %add3A_14 = arith.addi %add3A_13, %mul3A_6 : i32
      %select_n3A = arith.constant true
      %select_n3A_15 = arith.constant 0 : i32
      %select_n3A_16 = arith.constant -1 : i32
      %select_n3A_17 = arith.select %select_n3A, %select_n3A_16, %select_n3A_15 : i32
      %eq3A = arith.constant -1 : i32
      %eq3A_18 = arith.cmpi eq, %select_n3A_17, %eq3A : i32
      %select_n3A_19 = arith.constant 1 : i32
      %select_n3A_20 = arith.select %eq3A_18, %select_n3A_19, %select_n3A_17 : i32
      %add3A_21 = arith.addi %select_n3A_20, %mul3A_6 : i32
      %select_n3A_22 = arith.constant true
      %select_n3A_23 = arith.constant 0 : i32
      %select_n3A_24 = arith.constant 1 : i32
      %select_n3A_25 = arith.select %select_n3A_22, %select_n3A_24, %select_n3A_23 : i32
      %eq3A_26 = arith.constant 2 : i32
      %eq3A_27 = arith.cmpi eq, %select_n3A_25, %eq3A_26 : i32
      %select_n3A_28 = arith.constant 0 : i32
      %select_n3A_29 = arith.select %eq3A_27, %select_n3A_28, %select_n3A_25 : i32
      %add3A_30 = arith.addi %select_n3A_29, %mul3A_6 : i32
      %add3A_31 = arith.constant 1 : i32
      %add3A_32 = arith.addi %select_n3A_29, %add3A_31 : i32
      %select_n3A_33 = arith.constant true
      %select_n3A_34 = arith.select %select_n3A_33, %add3A_32, %select_n3A_29 : i32
      %eq3A_35 = arith.constant 2 : i32
      %eq3A_36 = arith.cmpi eq, %select_n3A_34, %eq3A_35 : i32
      %select_n3A_37 = arith.constant 0 : i32
      %select_n3A_38 = arith.select %eq3A_36, %select_n3A_37, %select_n3A_34 : i32
      %add3A_39 = arith.addi %select_n3A_38, %mul3A_6 : i32
      "tpu.region"() ({
        %run_scoped3A_146 = tpu.sem_alloc : memref<!tpu.dma_semaphore, #tpu.memory_space<semaphore_mem>>
        tpu.enqueue_dma source(%arg3 : memref<1x16xf32, #tpu.memory_space<hbm>>) target(%run_scoped3A_8 : memref<1x16xf32, #tpu.memory_space<vmem>>) target_semaphore(%run_scoped3A_146 : memref<!tpu.dma_semaphore, #tpu.memory_space<semaphore_mem>>)
        tpu.wait_dma2 semaphore(%run_scoped3A_146 : memref<!tpu.dma_semaphore, #tpu.memory_space<semaphore_mem>>) src(%arg3 : memref<1x16xf32, #tpu.memory_space<hbm>>) dst(%run_scoped3A_8 : memref<1x16xf32, #tpu.memory_space<vmem>>)
        tpu.yield
      }) : () -> ()
      "tpu.trace_start"() <{level = 10 : i32, message = "ep_initialize_0"}> : () -> ()
      %rem3A = arith.constant 0 : i32
      %rem3A_40 = arith.constant 2 : i32
      %rem3A_41 = arith.remui %rem3A, %rem3A_40 : i32
      %mul3A_42 = arith.constant 512 : i32
      %mul3A_43 = arith.muli %mul3A_42, %add3A_14 : i32
      %dma_start3A = arith.constant 0 : i32
      %dma_start3A_44 = arith.constant 0 : i32
      %dma_start3A_45 = tpu.memref_slice %run_scoped3A[%rem3A_41, %dma_start3A, %dma_start3A_44] : memref<2x8x512xf32, #tpu.memory_space<vmem>> -> memref<1x8x512xf32, #tpu.memory_space<vmem>>
      %dma_start3A_46 = tpu.memref_squeeze %dma_start3A_45 : memref<1x8x512xf32, #tpu.memory_space<vmem>> -> memref<8x512xf32, #tpu.memory_space<vmem>>
      %dma_start3A_47 = arith.constant 0 : i32
      %dma_start3A_48 = tpu.memref_slice %arg2[%dma_start3A_47, %mul3A_43] : memref<8x32768xf32, #tpu.memory_space<hbm>> -> memref<8x512xf32, #tpu.memory_space<hbm>>
      %dma_start3A_49 = tpu.memref_slice %run_scoped3A_7[%rem3A_41] : memref<2x!tpu.dma_semaphore, #tpu.memory_space<semaphore_mem>> -> memref<1x!tpu.dma_semaphore, #tpu.memory_space<semaphore_mem>>
      %dma_start3A_50 = tpu.memref_squeeze %dma_start3A_49 : memref<1x!tpu.dma_semaphore, #tpu.memory_space<semaphore_mem>> -> memref<!tpu.dma_semaphore, #tpu.memory_space<semaphore_mem>>
      %dma_start3A_51 = arith.constant 0 : i32
      %dma_start3A_52 = arith.constant 0 : i32
      %dma_start3A_53 = tpu.memref_slice %run_scoped3A[%rem3A_41, %dma_start3A_51, %dma_start3A_52] : memref<2x8x512xf32, #tpu.memory_space<vmem>> -> memref<1x8x512xf32, #tpu.memory_space<vmem>>
      %dma_start3A_54 = tpu.memref_squeeze %dma_start3A_53 : memref<1x8x512xf32, #tpu.memory_space<vmem>> -> memref<8x512xf32, #tpu.memory_space<vmem>>
      %dma_start3A_55 = arith.constant 0 : i32
      %dma_start3A_56 = tpu.memref_slice %arg2[%dma_start3A_55, %mul3A_43] : memref<8x32768xf32, #tpu.memory_space<hbm>> -> memref<8x512xf32, #tpu.memory_space<hbm>>
      tpu.enqueue_dma source(%dma_start3A_56 : memref<8x512xf32, #tpu.memory_space<hbm>>) target(%dma_start3A_54 : memref<8x512xf32, #tpu.memory_space<vmem>>) target_semaphore(%dma_start3A_50 : memref<!tpu.dma_semaphore, #tpu.memory_space<semaphore_mem>>)
      %add3A_57 = arith.constant 0 : i32
      %add3A_58 = arith.constant 1 : i32
      %add3A_59 = arith.addi %add3A_57, %add3A_58 : i32
      %select_n3A_60 = arith.constant true
      %select_n3A_61 = arith.constant 0 : i32
      %select_n3A_62 = arith.select %select_n3A_60, %add3A_59, %select_n3A_61 : i32
      "tpu.trace_stop"() : () -> ()
      %scan3A = arith.constant 0 : i32
      %scan3A_63 = arith.constant 0 : i32
      %scan3A_64 = arith.constant 0 : i32
      %scan3A_65 = arith.constant 0 : i32
      %scan3A_66 = arith.constant 0 : i32
      %scan3A_67 = arith.constant 0 : i32
      %scan3A_68 = arith.constant 0 : i32
      %scan3A_69 = arith.constant 0 : i32
      %scan3A_70 = arith.constant 0 : i32
      %scan3A_71 = arith.constant 2 : i32
      %scan3A_72 = arith.addi %scan3A_70, %scan3A_71 : i32
      %scan3A_73 = arith.constant 1 : i32
      %scan3A_74:8 = scf.for %scan3A_146 = %scan3A_70 to %scan3A_72 step %scan3A_73 iter_args(%scan3A_147 = %select_n3A_62, %scan3A_148 = %scan3A_63, %scan3A_149 = %scan3A_64, %scan3A_150 = %scan3A_65, %scan3A_151 = %scan3A_66, %scan3A_152 = %scan3A_67, %scan3A_153 = %scan3A_68, %scan3A_154 = %scan3A_69) -> (i32, i32, i32, i32, i32, i32, i32, i32)  : i32 {
        %eq3A_155 = arith.constant 0 : i32
        %eq3A_156 = arith.cmpi eq, %scan3A_146, %eq3A_155 : i32
        %eq3A_157 = arith.constant 1 : i32
        %eq3A_158 = arith.cmpi eq, %scan3A_146, %eq3A_157 : i32
        %add3A_159 = arith.addi %scan3A_154, %mul3A_6 : i32
        %sub3A_160 = arith.constant 1 : i32
        %sub3A_161 = arith.subi %scan3A_154, %sub3A_160 : i32
        %select_n3A_162 = arith.constant true
        %select_n3A_163 = arith.select %select_n3A_162, %sub3A_161, %scan3A_154 : i32
        %eq3A_164 = arith.constant -1 : i32
        %eq3A_165 = arith.cmpi eq, %select_n3A_163, %eq3A_164 : i32
        %select_n3A_166 = arith.constant 1 : i32
        %select_n3A_167 = arith.select %eq3A_165, %select_n3A_166, %select_n3A_163 : i32
        %add3A_168 = arith.addi %select_n3A_167, %mul3A_6 : i32
        %add3A_169 = arith.constant 1 : i32
        %add3A_170 = arith.addi %scan3A_154, %add3A_169 : i32
        %select_n3A_171 = arith.constant true
        %select_n3A_172 = arith.select %select_n3A_171, %add3A_170, %scan3A_154 : i32
        %eq3A_173 = arith.constant 2 : i32
        %eq3A_174 = arith.cmpi eq, %select_n3A_172, %eq3A_173 : i32
        %select_n3A_175 = arith.constant 0 : i32
        %select_n3A_176 = arith.select %eq3A_174, %select_n3A_175, %select_n3A_172 : i32
        %add3A_177 = arith.addi %select_n3A_176, %mul3A_6 : i32
        %add3A_178 = arith.constant 1 : i32
        %add3A_179 = arith.addi %select_n3A_176, %add3A_178 : i32
        %select_n3A_180 = arith.constant true
        %select_n3A_181 = arith.select %select_n3A_180, %add3A_179, %select_n3A_176 : i32
        %eq3A_182 = arith.constant 2 : i32
        %eq3A_183 = arith.cmpi eq, %select_n3A_181, %eq3A_182 : i32
        %select_n3A_184 = arith.constant 0 : i32
        %select_n3A_185 = arith.select %eq3A_183, %select_n3A_184, %select_n3A_181 : i32
        %add3A_186 = arith.addi %select_n3A_185, %mul3A_6 : i32
        %ne3A = arith.cmpi ne, %add3A_159, %add3A_177 : i32
        %or3A = arith.constant false
        %or3A_187 = arith.ori %or3A, %ne3A : i1
        %ge3A = arith.constant 1 : i32
        %ge3A_188 = arith.cmpi sge, %scan3A_146, %ge3A : i32
        %not3A = arith.constant true
        %not3A_189 = arith.xori %ge3A_188, %not3A : i1
        %and3A = arith.andi %or3A_187, %not3A_189 : i1
        %convert_element_type3A = arith.extui %and3A : i1 to i32
        %cond3A = arith.constant 0 : i32
        %cond3A_190 = arith.cmpi ne, %convert_element_type3A, %cond3A : i32
        scf.if %cond3A_190 {
          "tpu.trace_start"() <{level = 10 : i32, message = "ep_copy_in"}> : () -> ()
          %rem3A_340 = arith.constant 2 : i32
          %rem3A_341 = arith.remui %scan3A_147, %rem3A_340 : i32
          %mul3A_342 = arith.constant 512 : i32
          %mul3A_343 = arith.muli %mul3A_342, %add3A_177 : i32
          %dma_start3A_344 = arith.constant 0 : i32
          %dma_start3A_345 = arith.constant 0 : i32
          %dma_start3A_346 = tpu.memref_slice %run_scoped3A[%rem3A_341, %dma_start3A_344, %dma_start3A_345] : memref<2x8x512xf32, #tpu.memory_space<vmem>> -> memref<1x8x512xf32, #tpu.memory_space<vmem>>
          %dma_start3A_347 = tpu.memref_squeeze %dma_start3A_346 : memref<1x8x512xf32, #tpu.memory_space<vmem>> -> memref<8x512xf32, #tpu.memory_space<vmem>>
          %dma_start3A_348 = arith.constant 0 : i32
          %dma_start3A_349 = tpu.memref_slice %arg2[%dma_start3A_348, %mul3A_343] : memref<8x32768xf32, #tpu.memory_space<hbm>> -> memref<8x512xf32, #tpu.memory_space<hbm>>
          %dma_start3A_350 = tpu.memref_slice %run_scoped3A_7[%rem3A_341] : memref<2x!tpu.dma_semaphore, #tpu.memory_space<semaphore_mem>> -> memref<1x!tpu.dma_semaphore, #tpu.memory_space<semaphore_mem>>
          %dma_start3A_351 = tpu.memref_squeeze %dma_start3A_350 : memref<1x!tpu.dma_semaphore, #tpu.memory_space<semaphore_mem>> -> memref<!tpu.dma_semaphore, #tpu.memory_space<semaphore_mem>>
          %dma_start3A_352 = arith.constant 0 : i32
          %dma_start3A_353 = arith.constant 0 : i32
          %dma_start3A_354 = tpu.memref_slice %run_scoped3A[%rem3A_341, %dma_start3A_352, %dma_start3A_353] : memref<2x8x512xf32, #tpu.memory_space<vmem>> -> memref<1x8x512xf32, #tpu.memory_space<vmem>>
          %dma_start3A_355 = tpu.memref_squeeze %dma_start3A_354 : memref<1x8x512xf32, #tpu.memory_space<vmem>> -> memref<8x512xf32, #tpu.memory_space<vmem>>
          %dma_start3A_356 = arith.constant 0 : i32
          %dma_start3A_357 = tpu.memref_slice %arg2[%dma_start3A_356, %mul3A_343] : memref<8x32768xf32, #tpu.memory_space<hbm>> -> memref<8x512xf32, #tpu.memory_space<hbm>>
          tpu.enqueue_dma source(%dma_start3A_357 : memref<8x512xf32, #tpu.memory_space<hbm>>) target(%dma_start3A_355 : memref<8x512xf32, #tpu.memory_space<vmem>>) target_semaphore(%dma_start3A_351 : memref<!tpu.dma_semaphore, #tpu.memory_space<semaphore_mem>>)
          "tpu.trace_stop"() : () -> ()
        } else {
        }
        %and3A_191 = arith.constant true
        %and3A_192 = arith.andi %and3A, %and3A_191 : i1
        %add3A_193 = arith.constant 1 : i32
        %add3A_194 = arith.addi %scan3A_147, %add3A_193 : i32
        %select_n3A_195 = arith.select %and3A_192, %add3A_194, %scan3A_147 : i32
        %ne3A_196 = arith.cmpi ne, %add3A_159, %add3A_177 : i32
        %or3A_197 = arith.constant false
        %or3A_198 = arith.ori %or3A_197, %ne3A_196 : i1
        %ge3A_199 = arith.constant 1 : i32
        %ge3A_200 = arith.cmpi sge, %scan3A_146, %ge3A_199 : i32
        %not3A_201 = arith.constant true
        %not3A_202 = arith.xori %ge3A_200, %not3A_201 : i1
        %and3A_203 = arith.andi %or3A_198, %not3A_202 : i1
        %ne3A_204 = arith.cmpi ne, %add3A_159, %add3A_177 : i32
        %or3A_205 = arith.constant false
        %or3A_206 = arith.ori %or3A_205, %ne3A_204 : i1
        %ge3A_207 = arith.constant 1 : i32
        %ge3A_208 = arith.cmpi sge, %scan3A_146, %ge3A_207 : i32
        %not3A_209 = arith.constant true
        %not3A_210 = arith.xori %ge3A_208, %not3A_209 : i1
        %and3A_211 = arith.andi %or3A_206, %not3A_210 : i1
        %ne3A_212 = arith.cmpi ne, %add3A_159, %add3A_168 : i32
        %or3A_213 = arith.constant false
        %or3A_214 = arith.ori %or3A_213, %ne3A_212 : i1
        %or3A_215 = arith.ori %or3A_214, %eq3A_156 : i1
        %convert_element_type3A_216 = arith.extui %or3A_215 : i1 to i32
        %cond3A_217 = arith.constant 0 : i32
        %cond3A_218 = arith.cmpi ne, %convert_element_type3A_216, %cond3A_217 : i32
        scf.if %cond3A_218 {
          "tpu.trace_start"() <{level = 10 : i32, message = "ep_wait_in"}> : () -> ()
          %mul3A_340 = arith.constant 512 : i32
          %mul3A_341 = arith.muli %mul3A_340, %add3A_159 : i32
          %rem3A_342 = arith.constant 2 : i32
          %rem3A_343 = arith.remui %scan3A_148, %rem3A_342 : i32
          %dma_wait3A_344 = arith.constant 0 : i32
          %dma_wait3A_345 = arith.constant 0 : i32
          %dma_wait3A_346 = tpu.memref_slice %run_scoped3A[%rem3A_343, %dma_wait3A_344, %dma_wait3A_345] : memref<2x8x512xf32, #tpu.memory_space<vmem>> -> memref<1x8x512xf32, #tpu.memory_space<vmem>>
          %dma_wait3A_347 = tpu.memref_squeeze %dma_wait3A_346 : memref<1x8x512xf32, #tpu.memory_space<vmem>> -> memref<8x512xf32, #tpu.memory_space<vmem>>
          %dma_wait3A_348 = arith.constant 0 : i32
          %dma_wait3A_349 = tpu.memref_slice %arg2[%dma_wait3A_348, %mul3A_341] : memref<8x32768xf32, #tpu.memory_space<hbm>> -> memref<8x512xf32, #tpu.memory_space<hbm>>
          %dma_wait3A_350 = tpu.memref_slice %run_scoped3A_7[%rem3A_343] : memref<2x!tpu.dma_semaphore, #tpu.memory_space<semaphore_mem>> -> memref<1x!tpu.dma_semaphore, #tpu.memory_space<semaphore_mem>>
          %dma_wait3A_351 = tpu.memref_squeeze %dma_wait3A_350 : memref<1x!tpu.dma_semaphore, #tpu.memory_space<semaphore_mem>> -> memref<!tpu.dma_semaphore, #tpu.memory_space<semaphore_mem>>
          %dma_wait3A_352 = arith.constant 0 : i32
          %dma_wait3A_353 = arith.constant 0 : i32
          %dma_wait3A_354 = tpu.memref_slice %run_scoped3A[%rem3A_343, %dma_wait3A_352, %dma_wait3A_353] : memref<2x8x512xf32, #tpu.memory_space<vmem>> -> memref<1x8x512xf32, #tpu.memory_space<vmem>>
          %dma_wait3A_355 = tpu.memref_squeeze %dma_wait3A_354 : memref<1x8x512xf32, #tpu.memory_space<vmem>> -> memref<8x512xf32, #tpu.memory_space<vmem>>
          %dma_wait3A_356 = arith.constant 0 : i32
          %dma_wait3A_357 = tpu.memref_slice %arg2[%dma_wait3A_356, %mul3A_341] : memref<8x32768xf32, #tpu.memory_space<hbm>> -> memref<8x512xf32, #tpu.memory_space<hbm>>
          tpu.wait_dma2 semaphore(%dma_wait3A_351 : memref<!tpu.dma_semaphore, #tpu.memory_space<semaphore_mem>>) src(%dma_wait3A_357 : memref<8x512xf32, #tpu.memory_space<hbm>>) dst(%dma_wait3A_355 : memref<8x512xf32, #tpu.memory_space<vmem>>)
          "tpu.trace_stop"() : () -> ()
        } else {
        }
        %ne3A_219 = arith.cmpi ne, %add3A_159, %add3A_168 : i32
        %or3A_220 = arith.constant false
        %or3A_221 = arith.ori %or3A_220, %ne3A_219 : i1
        %or3A_222 = arith.ori %or3A_221, %eq3A_156 : i1
        %convert_element_type3A_223 = arith.extui %or3A_222 : i1 to i32
        %cond3A_224 = arith.constant 0 : i32
        %cond3A_225 = arith.cmpi ne, %convert_element_type3A_223, %cond3A_224 : i32
        scf.if %cond3A_225 {
        } else {
        }
        %ne3A_226 = arith.cmpi ne, %add3A_159, %add3A_168 : i32
        %or3A_227 = arith.constant false
        %or3A_228 = arith.ori %or3A_227, %ne3A_226 : i1
        %or3A_229 = arith.ori %or3A_228, %eq3A_156 : i1
        %convert_element_type3A_230 = arith.extui %or3A_229 : i1 to i32
        %cond3A_231 = arith.constant 0 : i32
        %cond3A_232 = arith.cmpi ne, %convert_element_type3A_230, %cond3A_231 : i32
        scf.if %cond3A_232 {
        } else {
        }
        %rem3A_233 = arith.constant 2 : i32
        %rem3A_234 = arith.remui %scan3A_148, %rem3A_233 : i32
        %rem3A_235 = arith.constant 2 : i32
        %rem3A_236 = arith.remui %scan3A_150, %rem3A_235 : i32
        %rem3A_237 = arith.constant 2 : i32
        %rem3A_238 = arith.remui %scan3A_152, %rem3A_237 : i32
        %get3A = arith.constant 0 : i32
        "tpu.trace_start"() <{level = 10 : i32, message = "ep_run_kernel"}> : () -> ()
        %get3A_239 = arith.index_cast %get3A : i32 to index
        %get3A_240 = arith.constant 0 : index
        %get3A_241 = tpu.vector_load %run_scoped3A_8[%get3A_239, %get3A_240] {strides = array<i32>} : memref<1x16xf32, #tpu.memory_space<vmem>>, vector<1x16xf32>,
        %get3A_242 = vector.shape_cast %get3A_241 : vector<1x16xf32> to vector<16xf32>
        %scan3A_243 = arith.constant 0 : i32
        %scan3A_244 = arith.constant 32 : i32
        %scan3A_245 = arith.addi %scan3A_243, %scan3A_244 : i32
        %scan3A_246 = arith.constant 1 : i32
        scf.for %scan3A_340 = %scan3A_243 to %scan3A_245 step %scan3A_246  : i32 {
          %mul3A_341 = arith.constant 16 : i32
          %mul3A_342 = arith.muli %scan3A_340, %mul3A_341 : i32
          %add3A_343 = arith.constant 0 : i32
          %add3A_344 = arith.addi %add3A_343, %mul3A_342 : i32
          %get3A_345 = arith.constant 0 : i32
          %get3A_346 = arith.constant 0 : i32
          %get3A_347 = arith.constant 0 : i32
          %get3A_348 = tpu.memref_slice %run_scoped3A[%rem3A_234, %get3A_346, %get3A_347] : memref<2x8x512xf32, #tpu.memory_space<vmem>> -> memref<1x8x512xf32, #tpu.memory_space<vmem>>
          %get3A_349 = tpu.memref_squeeze %get3A_348 : memref<1x8x512xf32, #tpu.memory_space<vmem>> -> memref<8x512xf32, #tpu.memory_space<vmem>>
          %get3A_350 = arith.index_cast %get3A_345 : i32 to index
          %get3A_351 = arith.index_cast %add3A_344 : i32 to index
          %get3A_352 = tpu.vector_load %get3A_349[%get3A_350, %get3A_351] {strides = array<i32>} : memref<8x512xf32, #tpu.memory_space<vmem>>, vector<1x16xf32>,
          %get3A_353 = vector.shape_cast %get3A_352 : vector<1x16xf32> to vector<16xf32>
          %gt3A = arith.cmpf ogt, %get3A_353, %get3A_242 : vector<16xf32>
          %jit3A = arith.constant 1.000000e+00 : f32
          %jit3A_354 = arith.constant 0.000000e+00 : f32
          %broadcast_in_dim3A = vector.broadcast %jit3A : f32 to vector<16xf32>
          %broadcast_in_dim3A_355 = vector.broadcast %jit3A_354 : f32 to vector<16xf32>
          %select_n3A_356 = arith.select %gt3A, %broadcast_in_dim3A, %broadcast_in_dim3A_355 : vector<16xi1>, vector<16xf32>
          %sub3A_357 = arith.constant 1.000000e+00 : f32
          %sub3A_358 = vector.broadcast %sub3A_357 : f32 to vector<16xf32>
          %sub3A_359 = arith.subf %get3A_353, %sub3A_358 : vector<16xf32>
          %exp3A = math.exp %sub3A_359 : vector<16xf32>
          %mul3A_360 = arith.mulf %exp3A, %select_n3A_356 : vector<16xf32>
          %get3A_361 = arith.constant 1 : i32
          %get3A_362 = arith.constant 0 : i32
          %get3A_363 = arith.constant 0 : i32
          %get3A_364 = tpu.memref_slice %run_scoped3A[%rem3A_234, %get3A_362, %get3A_363] : memref<2x8x512xf32, #tpu.memory_space<vmem>> -> memref<1x8x512xf32, #tpu.memory_space<vmem>>
          %get3A_365 = tpu.memref_squeeze %get3A_364 : memref<1x8x512xf32, #tpu.memory_space<vmem>> -> memref<8x512xf32, #tpu.memory_space<vmem>>
          %get3A_366 = arith.index_cast %get3A_361 : i32 to index
          %get3A_367 = arith.index_cast %add3A_344 : i32 to index
          %get3A_368 = tpu.vector_load %get3A_365[%get3A_366, %get3A_367] {strides = array<i32>} : memref<8x512xf32, #tpu.memory_space<vmem>>, vector<1x16xf32>,
          %get3A_369 = vector.shape_cast %get3A_368 : vector<1x16xf32> to vector<16xf32>
          %gt3A_370 = arith.cmpf ogt, %get3A_369, %get3A_242 : vector<16xf32>
          %jit3A_371 = arith.constant 1.000000e+00 : f32
          %jit3A_372 = arith.constant 0.000000e+00 : f32
          %broadcast_in_dim3A_373 = vector.broadcast %jit3A_371 : f32 to vector<16xf32>
          %broadcast_in_dim3A_374 = vector.broadcast %jit3A_372 : f32 to vector<16xf32>
          %select_n3A_375 = arith.select %gt3A_370, %broadcast_in_dim3A_373, %broadcast_in_dim3A_374 : vector<16xi1>, vector<16xf32>
          %sub3A_376 = arith.constant 1.000000e+00 : f32
          %sub3A_377 = vector.broadcast %sub3A_376 : f32 to vector<16xf32>
          %sub3A_378 = arith.subf %get3A_369, %sub3A_377 : vector<16xf32>
          %exp3A_379 = math.exp %sub3A_378 : vector<16xf32>
          %mul3A_380 = arith.mulf %exp3A_379, %select_n3A_375 : vector<16xf32>
          %get3A_381 = arith.constant 2 : i32
          %get3A_382 = arith.constant 0 : i32
          %get3A_383 = arith.constant 0 : i32
          %get3A_384 = tpu.memref_slice %run_scoped3A[%rem3A_234, %get3A_382, %get3A_383] : memref<2x8x512xf32, #tpu.memory_space<vmem>> -> memref<1x8x512xf32, #tpu.memory_space<vmem>>
          %get3A_385 = tpu.memref_squeeze %get3A_384 : memref<1x8x512xf32, #tpu.memory_space<vmem>> -> memref<8x512xf32, #tpu.memory_space<vmem>>
          %get3A_386 = arith.index_cast %get3A_381 : i32 to index
          %get3A_387 = arith.index_cast %add3A_344 : i32 to index
          %get3A_388 = tpu.vector_load %get3A_385[%get3A_386, %get3A_387] {strides = array<i32>} : memref<8x512xf32, #tpu.memory_space<vmem>>, vector<1x16xf32>,
          %get3A_389 = vector.shape_cast %get3A_388 : vector<1x16xf32> to vector<16xf32>
          %gt3A_390 = arith.cmpf ogt, %get3A_389, %get3A_242 : vector<16xf32>
          %jit3A_391 = arith.constant 1.000000e+00 : f32
          %jit3A_392 = arith.constant 0.000000e+00 : f32
          %broadcast_in_dim3A_393 = vector.broadcast %jit3A_391 : f32 to vector<16xf32>
          %broadcast_in_dim3A_394 = vector.broadcast %jit3A_392 : f32 to vector<16xf32>
          %select_n3A_395 = arith.select %gt3A_390, %broadcast_in_dim3A_393, %broadcast_in_dim3A_394 : vector<16xi1>, vector<16xf32>
          %sub3A_396 = arith.constant 1.000000e+00 : f32
          %sub3A_397 = vector.broadcast %sub3A_396 : f32 to vector<16xf32>
          %sub3A_398 = arith.subf %get3A_389, %sub3A_397 : vector<16xf32>
          %exp3A_399 = math.exp %sub3A_398 : vector<16xf32>
          %mul3A_400 = arith.mulf %exp3A_399, %select_n3A_395 : vector<16xf32>
          %get3A_401 = arith.constant 3 : i32
          %get3A_402 = arith.constant 0 : i32
          %get3A_403 = arith.constant 0 : i32
          %get3A_404 = tpu.memref_slice %run_scoped3A[%rem3A_234, %get3A_402, %get3A_403] : memref<2x8x512xf32, #tpu.memory_space<vmem>> -> memref<1x8x512xf32, #tpu.memory_space<vmem>>
          %get3A_405 = tpu.memref_squeeze %get3A_404 : memref<1x8x512xf32, #tpu.memory_space<vmem>> -> memref<8x512xf32, #tpu.memory_space<vmem>>
          %get3A_406 = arith.index_cast %get3A_401 : i32 to index
          %get3A_407 = arith.index_cast %add3A_344 : i32 to index
          %get3A_408 = tpu.vector_load %get3A_405[%get3A_406, %get3A_407] {strides = array<i32>} : memref<8x512xf32, #tpu.memory_space<vmem>>, vector<1x16xf32>,
          %get3A_409 = vector.shape_cast %get3A_408 : vector<1x16xf32> to vector<16xf32>
          %gt3A_410 = arith.cmpf ogt, %get3A_409, %get3A_242 : vector<16xf32>
          %jit3A_411 = arith.constant 1.000000e+00 : f32
          %jit3A_412 = arith.constant 0.000000e+00 : f32
          %broadcast_in_dim3A_413 = vector.broadcast %jit3A_411 : f32 to vector<16xf32>
          %broadcast_in_dim3A_414 = vector.broadcast %jit3A_412 : f32 to vector<16xf32>
          %select_n3A_415 = arith.select %gt3A_410, %broadcast_in_dim3A_413, %broadcast_in_dim3A_414 : vector<16xi1>, vector<16xf32>
          %sub3A_416 = arith.constant 1.000000e+00 : f32
          %sub3A_417 = vector.broadcast %sub3A_416 : f32 to vector<16xf32>
          %sub3A_418 = arith.subf %get3A_409, %sub3A_417 : vector<16xf32>
          %exp3A_419 = math.exp %sub3A_418 : vector<16xf32>
          %mul3A_420 = arith.mulf %exp3A_419, %select_n3A_415 : vector<16xf32>
          %get3A_421 = arith.constant 4 : i32
          %get3A_422 = arith.constant 0 : i32
          %get3A_423 = arith.constant 0 : i32
          %get3A_424 = tpu.memref_slice %run_scoped3A[%rem3A_234, %get3A_422, %get3A_423] : memref<2x8x512xf32, #tpu.memory_space<vmem>> -> memref<1x8x512xf32, #tpu.memory_space<vmem>>
          %get3A_425 = tpu.memref_squeeze %get3A_424 : memref<1x8x512xf32, #tpu.memory_space<vmem>> -> memref<8x512xf32, #tpu.memory_space<vmem>>
          %get3A_426 = arith.index_cast %get3A_421 : i32 to index
          %get3A_427 = arith.index_cast %add3A_344 : i32 to index
          %get3A_428 = tpu.vector_load %get3A_425[%get3A_426, %get3A_427] {strides = array<i32>} : memref<8x512xf32, #tpu.memory_space<vmem>>, vector<1x16xf32>,
          %get3A_429 = vector.shape_cast %get3A_428 : vector<1x16xf32> to vector<16xf32>
          %gt3A_430 = arith.cmpf ogt, %get3A_429, %get3A_242 : vector<16xf32>
          %jit3A_431 = arith.constant 1.000000e+00 : f32
          %jit3A_432 = arith.constant 0.000000e+00 : f32
          %broadcast_in_dim3A_433 = vector.broadcast %jit3A_431 : f32 to vector<16xf32>
          %broadcast_in_dim3A_434 = vector.broadcast %jit3A_432 : f32 to vector<16xf32>
          %select_n3A_435 = arith.select %gt3A_430, %broadcast_in_dim3A_433, %broadcast_in_dim3A_434 : vector<16xi1>, vector<16xf32>
          %sub3A_436 = arith.constant 1.000000e+00 : f32
          %sub3A_437 = vector.broadcast %sub3A_436 : f32 to vector<16xf32>
          %sub3A_438 = arith.subf %get3A_429, %sub3A_437 : vector<16xf32>
          %exp3A_439 = math.exp %sub3A_438 : vector<16xf32>
          %mul3A_440 = arith.mulf %exp3A_439, %select_n3A_435 : vector<16xf32>
          %get3A_441 = arith.constant 5 : i32
          %get3A_442 = arith.constant 0 : i32
          %get3A_443 = arith.constant 0 : i32
          %get3A_444 = tpu.memref_slice %run_scoped3A[%rem3A_234, %get3A_442, %get3A_443] : memref<2x8x512xf32, #tpu.memory_space<vmem>> -> memref<1x8x512xf32, #tpu.memory_space<vmem>>
          %get3A_445 = tpu.memref_squeeze %get3A_444 : memref<1x8x512xf32, #tpu.memory_space<vmem>> -> memref<8x512xf32, #tpu.memory_space<vmem>>
          %get3A_446 = arith.index_cast %get3A_441 : i32 to index
          %get3A_447 = arith.index_cast %add3A_344 : i32 to index
          %get3A_448 = tpu.vector_load %get3A_445[%get3A_446, %get3A_447] {strides = array<i32>} : memref<8x512xf32, #tpu.memory_space<vmem>>, vector<1x16xf32>,
          %get3A_449 = vector.shape_cast %get3A_448 : vector<1x16xf32> to vector<16xf32>
          %gt3A_450 = arith.cmpf ogt, %get3A_449, %get3A_242 : vector<16xf32>
          %jit3A_451 = arith.constant 1.000000e+00 : f32
          %jit3A_452 = arith.constant 0.000000e+00 : f32
          %broadcast_in_dim3A_453 = vector.broadcast %jit3A_451 : f32 to vector<16xf32>
          %broadcast_in_dim3A_454 = vector.broadcast %jit3A_452 : f32 to vector<16xf32>
          %select_n3A_455 = arith.select %gt3A_450, %broadcast_in_dim3A_453, %broadcast_in_dim3A_454 : vector<16xi1>, vector<16xf32>
          %sub3A_456 = arith.constant 1.000000e+00 : f32
          %sub3A_457 = vector.broadcast %sub3A_456 : f32 to vector<16xf32>
          %sub3A_458 = arith.subf %get3A_449, %sub3A_457 : vector<16xf32>
          %exp3A_459 = math.exp %sub3A_458 : vector<16xf32>
          %mul3A_460 = arith.mulf %exp3A_459, %select_n3A_455 : vector<16xf32>
          %get3A_461 = arith.constant 6 : i32
          %get3A_462 = arith.constant 0 : i32
          %get3A_463 = arith.constant 0 : i32
          %get3A_464 = tpu.memref_slice %run_scoped3A[%rem3A_234, %get3A_462, %get3A_463] : memref<2x8x512xf32, #tpu.memory_space<vmem>> -> memref<1x8x512xf32, #tpu.memory_space<vmem>>
          %get3A_465 = tpu.memref_squeeze %get3A_464 : memref<1x8x512xf32, #tpu.memory_space<vmem>> -> memref<8x512xf32, #tpu.memory_space<vmem>>
          %get3A_466 = arith.index_cast %get3A_461 : i32 to index
          %get3A_467 = arith.index_cast %add3A_344 : i32 to index
          %get3A_468 = tpu.vector_load %get3A_465[%get3A_466, %get3A_467] {strides = array<i32>} : memref<8x512xf32, #tpu.memory_space<vmem>>, vector<1x16xf32>,
          %get3A_469 = vector.shape_cast %get3A_468 : vector<1x16xf32> to vector<16xf32>
          %gt3A_470 = arith.cmpf ogt, %get3A_469, %get3A_242 : vector<16xf32>
          %jit3A_471 = arith.constant 1.000000e+00 : f32
          %jit3A_472 = arith.constant 0.000000e+00 : f32
          %broadcast_in_dim3A_473 = vector.broadcast %jit3A_471 : f32 to vector<16xf32>
          %broadcast_in_dim3A_474 = vector.broadcast %jit3A_472 : f32 to vector<16xf32>
          %select_n3A_475 = arith.select %gt3A_470, %broadcast_in_dim3A_473, %broadcast_in_dim3A_474 : vector<16xi1>, vector<16xf32>
          %sub3A_476 = arith.constant 1.000000e+00 : f32
          %sub3A_477 = vector.broadcast %sub3A_476 : f32 to vector<16xf32>
          %sub3A_478 = arith.subf %get3A_469, %sub3A_477 : vector<16xf32>
          %exp3A_479 = math.exp %sub3A_478 : vector<16xf32>
          %mul3A_480 = arith.mulf %exp3A_479, %select_n3A_475 : vector<16xf32>
          %get3A_481 = arith.constant 7 : i32
          %get3A_482 = arith.constant 0 : i32
          %get3A_483 = arith.constant 0 : i32
          %get3A_484 = tpu.memref_slice %run_scoped3A[%rem3A_234, %get3A_482, %get3A_483] : memref<2x8x512xf32, #tpu.memory_space<vmem>> -> memref<1x8x512xf32, #tpu.memory_space<vmem>>
          %get3A_485 = tpu.memref_squeeze %get3A_484 : memref<1x8x512xf32, #tpu.memory_space<vmem>> -> memref<8x512xf32, #tpu.memory_space<vmem>>
          %get3A_486 = arith.index_cast %get3A_481 : i32 to index
          %get3A_487 = arith.index_cast %add3A_344 : i32 to index
          %get3A_488 = tpu.vector_load %get3A_485[%get3A_486, %get3A_487] {strides = array<i32>} : memref<8x512xf32, #tpu.memory_space<vmem>>, vector<1x16xf32>,
          %get3A_489 = vector.shape_cast %get3A_488 : vector<1x16xf32> to vector<16xf32>
          %gt3A_490 = arith.cmpf ogt, %get3A_489, %get3A_242 : vector<16xf32>
          %jit3A_491 = arith.constant 1.000000e+00 : f32
          %jit3A_492 = arith.constant 0.000000e+00 : f32
          %broadcast_in_dim3A_493 = vector.broadcast %jit3A_491 : f32 to vector<16xf32>
          %broadcast_in_dim3A_494 = vector.broadcast %jit3A_492 : f32 to vector<16xf32>
          %select_n3A_495 = arith.select %gt3A_490, %broadcast_in_dim3A_493, %broadcast_in_dim3A_494 : vector<16xi1>, vector<16xf32>
          %sub3A_496 = arith.constant 1.000000e+00 : f32
          %sub3A_497 = vector.broadcast %sub3A_496 : f32 to vector<16xf32>
          %sub3A_498 = arith.subf %get3A_489, %sub3A_497 : vector<16xf32>
          %exp3A_499 = math.exp %sub3A_498 : vector<16xf32>
          %mul3A_500 = arith.mulf %exp3A_499, %select_n3A_495 : vector<16xf32>
          %add3A_501 = arith.addf %mul3A_360, %mul3A_380 : vector<16xf32>
          %add3A_502 = arith.addf %select_n3A_356, %select_n3A_375 : vector<16xf32>
          %add3A_503 = arith.addf %add3A_501, %mul3A_400 : vector<16xf32>
          %add3A_504 = arith.addf %add3A_502, %select_n3A_395 : vector<16xf32>
          %add3A_505 = arith.addf %add3A_503, %mul3A_420 : vector<16xf32>
          %add3A_506 = arith.addf %add3A_504, %select_n3A_415 : vector<16xf32>
          %add3A_507 = arith.addf %add3A_505, %mul3A_440 : vector<16xf32>
          %add3A_508 = arith.addf %add3A_506, %select_n3A_435 : vector<16xf32>
          %add3A_509 = arith.addf %add3A_507, %mul3A_460 : vector<16xf32>
          %add3A_510 = arith.addf %add3A_508, %select_n3A_455 : vector<16xf32>
          %add3A_511 = arith.addf %add3A_509, %mul3A_480 : vector<16xf32>
          %add3A_512 = arith.addf %add3A_510, %select_n3A_475 : vector<16xf32>
          %add3A_513 = arith.addf %add3A_511, %mul3A_500 : vector<16xf32>
          %add3A_514 = arith.addf %add3A_512, %select_n3A_495 : vector<16xf32>
          %convert_element_type3A_515 = arith.fptosi %add3A_514 : vector<16xf32> to vector<16xi32>
          %swap3A = arith.constant 0 : i32
          %swap3A_516 = arith.constant 0 : i32
          %swap3A_517 = arith.constant 0 : i32
          %swap3A_518 = tpu.memref_slice %run_scoped3A_11[%rem3A_238, %swap3A_516, %swap3A_517] : memref<2x1x512xi32, #tpu.memory_space<vmem>> -> memref<1x1x512xi32, #tpu.memory_space<vmem>>
          %swap3A_519 = tpu.memref_squeeze %swap3A_518 : memref<1x1x512xi32, #tpu.memory_space<vmem>> -> memref<1x512xi32, #tpu.memory_space<vmem>>
          %swap3A_520 = arith.index_cast %swap3A : i32 to index
          %swap3A_521 = arith.index_cast %add3A_344 : i32 to index
          %swap3A_522 = tpu.vector_load %swap3A_519[%swap3A_520, %swap3A_521] {strides = array<i32>} : memref<1x512xi32, #tpu.memory_space<vmem>>, vector<1x16xi32>,
          %swap3A_523 = vector.shape_cast %swap3A_522 : vector<1x16xi32> to vector<16xi32>
          %swap3A_524 = vector.shape_cast %convert_element_type3A_515 : vector<16xi32> to vector<1x16xi32>
          tpu.vector_store %swap3A_519[%swap3A_520, %swap3A_521], %swap3A_524 {strides = array<i32>} : memref<1x512xi32, #tpu.memory_space<vmem>>, vector<1x16xi32>,
          %div3A = arith.constant 1.000000e+00 : f32
          %div3A_525 = vector.broadcast %div3A : f32 to vector<16xf32>
          %div3A_526 = arith.divf %div3A_525, %add3A_513 : vector<16xf32>
          %gt3A_527 = arith.constant 5.000000e-01 : f32
          %gt3A_528 = vector.broadcast %gt3A_527 : f32 to vector<16xf32>
          %gt3A_529 = arith.cmpf ogt, %add3A_514, %gt3A_528 : vector<16xf32>
          %mul3A_530 = arith.mulf %mul3A_360, %div3A_526 : vector<16xf32>
          %jit3A_531 = arith.constant 1.250000e-01 : f32
          %broadcast_in_dim3A_532 = vector.broadcast %jit3A_531 : f32 to vector<16xf32>
          %select_n3A_533 = arith.select %gt3A_529, %mul3A_530, %broadcast_in_dim3A_532 : vector<16xi1>, vector<16xf32>
          %swap3A_534 = arith.constant 0 : i32
          %swap3A_535 = arith.constant 0 : i32
          %swap3A_536 = arith.constant 0 : i32
          %swap3A_537 = tpu.memref_slice %run_scoped3A_9[%rem3A_236, %swap3A_535, %swap3A_536] : memref<2x8x512xf32, #tpu.memory_space<vmem>> -> memref<1x8x512xf32, #tpu.memory_space<vmem>>
          %swap3A_538 = tpu.memref_squeeze %swap3A_537 : memref<1x8x512xf32, #tpu.memory_space<vmem>> -> memref<8x512xf32, #tpu.memory_space<vmem>>
          %swap3A_539 = arith.index_cast %swap3A_534 : i32 to index
          %swap3A_540 = arith.index_cast %add3A_344 : i32 to index
          %swap3A_541 = tpu.vector_load %swap3A_538[%swap3A_539, %swap3A_540] {strides = array<i32>} : memref<8x512xf32, #tpu.memory_space<vmem>>, vector<1x16xf32>,
          %swap3A_542 = vector.shape_cast %swap3A_541 : vector<1x16xf32> to vector<16xf32>
          %swap3A_543 = vector.shape_cast %select_n3A_533 : vector<16xf32> to vector<1x16xf32>
          tpu.vector_store %swap3A_538[%swap3A_539, %swap3A_540], %swap3A_543 {strides = array<i32>} : memref<8x512xf32, #tpu.memory_space<vmem>>, vector<1x16xf32>,
          %gt3A_544 = arith.constant 5.000000e-01 : f32
          %gt3A_545 = vector.broadcast %gt3A_544 : f32 to vector<16xf32>
          %gt3A_546 = arith.cmpf ogt, %add3A_514, %gt3A_545 : vector<16xf32>
          %mul3A_547 = arith.mulf %mul3A_380, %div3A_526 : vector<16xf32>
          %jit3A_548 = arith.constant 1.250000e-01 : f32
          %broadcast_in_dim3A_549 = vector.broadcast %jit3A_548 : f32 to vector<16xf32>
          %select_n3A_550 = arith.select %gt3A_546, %mul3A_547, %broadcast_in_dim3A_549 : vector<16xi1>, vector<16xf32>
          %swap3A_551 = arith.constant 1 : i32
          %swap3A_552 = arith.constant 0 : i32
          %swap3A_553 = arith.constant 0 : i32
          %swap3A_554 = tpu.memref_slice %run_scoped3A_9[%rem3A_236, %swap3A_552, %swap3A_553] : memref<2x8x512xf32, #tpu.memory_space<vmem>> -> memref<1x8x512xf32, #tpu.memory_space<vmem>>
          %swap3A_555 = tpu.memref_squeeze %swap3A_554 : memref<1x8x512xf32, #tpu.memory_space<vmem>> -> memref<8x512xf32, #tpu.memory_space<vmem>>
          %swap3A_556 = arith.index_cast %swap3A_551 : i32 to index
          %swap3A_557 = arith.index_cast %add3A_344 : i32 to index
          %swap3A_558 = tpu.vector_load %swap3A_555[%swap3A_556, %swap3A_557] {strides = array<i32>} : memref<8x512xf32, #tpu.memory_space<vmem>>, vector<1x16xf32>,
          %swap3A_559 = vector.shape_cast %swap3A_558 : vector<1x16xf32> to vector<16xf32>
          %swap3A_560 = vector.shape_cast %select_n3A_550 : vector<16xf32> to vector<1x16xf32>
          tpu.vector_store %swap3A_555[%swap3A_556, %swap3A_557], %swap3A_560 {strides = array<i32>} : memref<8x512xf32, #tpu.memory_space<vmem>>, vector<1x16xf32>,
          %gt3A_561 = arith.constant 5.000000e-01 : f32
          %gt3A_562 = vector.broadcast %gt3A_561 : f32 to vector<16xf32>
          %gt3A_563 = arith.cmpf ogt, %add3A_514, %gt3A_562 : vector<16xf32>
          %mul3A_564 = arith.mulf %mul3A_400, %div3A_526 : vector<16xf32>
          %jit3A_565 = arith.constant 1.250000e-01 : f32
          %broadcast_in_dim3A_566 = vector.broadcast %jit3A_565 : f32 to vector<16xf32>
          %select_n3A_567 = arith.select %gt3A_563, %mul3A_564, %broadcast_in_dim3A_566 : vector<16xi1>, vector<16xf32>
          %swap3A_568 = arith.constant 2 : i32
          %swap3A_569 = arith.constant 0 : i32
          %swap3A_570 = arith.constant 0 : i32
          %swap3A_571 = tpu.memref_slice %run_scoped3A_9[%rem3A_236, %swap3A_569, %swap3A_570] : memref<2x8x512xf32, #tpu.memory_space<vmem>> -> memref<1x8x512xf32, #tpu.memory_space<vmem>>
          %swap3A_572 = tpu.memref_squeeze %swap3A_571 : memref<1x8x512xf32, #tpu.memory_space<vmem>> -> memref<8x512xf32, #tpu.memory_space<vmem>>
          %swap3A_573 = arith.index_cast %swap3A_568 : i32 to index
          %swap3A_574 = arith.index_cast %add3A_344 : i32 to index
          %swap3A_575 = tpu.vector_load %swap3A_572[%swap3A_573, %swap3A_574] {strides = array<i32>} : memref<8x512xf32, #tpu.memory_space<vmem>>, vector<1x16xf32>,
          %swap3A_576 = vector.shape_cast %swap3A_575 : vector<1x16xf32> to vector<16xf32>
          %swap3A_577 = vector.shape_cast %select_n3A_567 : vector<16xf32> to vector<1x16xf32>
          tpu.vector_store %swap3A_572[%swap3A_573, %swap3A_574], %swap3A_577 {strides = array<i32>} : memref<8x512xf32, #tpu.memory_space<vmem>>, vector<1x16xf32>,
          %gt3A_578 = arith.constant 5.000000e-01 : f32
          %gt3A_579 = vector.broadcast %gt3A_578 : f32 to vector<16xf32>
          %gt3A_580 = arith.cmpf ogt, %add3A_514, %gt3A_579 : vector<16xf32>
          %mul3A_581 = arith.mulf %mul3A_420, %div3A_526 : vector<16xf32>
          %jit3A_582 = arith.constant 1.250000e-01 : f32
          %broadcast_in_dim3A_583 = vector.broadcast %jit3A_582 : f32 to vector<16xf32>
          %select_n3A_584 = arith.select %gt3A_580, %mul3A_581, %broadcast_in_dim3A_583 : vector<16xi1>, vector<16xf32>
          %swap3A_585 = arith.constant 3 : i32
          %swap3A_586 = arith.constant 0 : i32
          %swap3A_587 = arith.constant 0 : i32
          %swap3A_588 = tpu.memref_slice %run_scoped3A_9[%rem3A_236, %swap3A_586, %swap3A_587] : memref<2x8x512xf32, #tpu.memory_space<vmem>> -> memref<1x8x512xf32, #tpu.memory_space<vmem>>
          %swap3A_589 = tpu.memref_squeeze %swap3A_588 : memref<1x8x512xf32, #tpu.memory_space<vmem>> -> memref<8x512xf32, #tpu.memory_space<vmem>>
          %swap3A_590 = arith.index_cast %swap3A_585 : i32 to index
          %swap3A_591 = arith.index_cast %add3A_344 : i32 to index
          %swap3A_592 = tpu.vector_load %swap3A_589[%swap3A_590, %swap3A_591] {strides = array<i32>} : memref<8x512xf32, #tpu.memory_space<vmem>>, vector<1x16xf32>,
          %swap3A_593 = vector.shape_cast %swap3A_592 : vector<1x16xf32> to vector<16xf32>
          %swap3A_594 = vector.shape_cast %select_n3A_584 : vector<16xf32> to vector<1x16xf32>
          tpu.vector_store %swap3A_589[%swap3A_590, %swap3A_591], %swap3A_594 {strides = array<i32>} : memref<8x512xf32, #tpu.memory_space<vmem>>, vector<1x16xf32>,
          %gt3A_595 = arith.constant 5.000000e-01 : f32
          %gt3A_596 = vector.broadcast %gt3A_595 : f32 to vector<16xf32>
          %gt3A_597 = arith.cmpf ogt, %add3A_514, %gt3A_596 : vector<16xf32>
          %mul3A_598 = arith.mulf %mul3A_440, %div3A_526 : vector<16xf32>
          %jit3A_599 = arith.constant 1.250000e-01 : f32
          %broadcast_in_dim3A_600 = vector.broadcast %jit3A_599 : f32 to vector<16xf32>
          %select_n3A_601 = arith.select %gt3A_597, %mul3A_598, %broadcast_in_dim3A_600 : vector<16xi1>, vector<16xf32>
          %swap3A_602 = arith.constant 4 : i32
          %swap3A_603 = arith.constant 0 : i32
          %swap3A_604 = arith.constant 0 : i32
          %swap3A_605 = tpu.memref_slice %run_scoped3A_9[%rem3A_236, %swap3A_603, %swap3A_604] : memref<2x8x512xf32, #tpu.memory_space<vmem>> -> memref<1x8x512xf32, #tpu.memory_space<vmem>>
          %swap3A_606 = tpu.memref_squeeze %swap3A_605 : memref<1x8x512xf32, #tpu.memory_space<vmem>> -> memref<8x512xf32, #tpu.memory_space<vmem>>
          %swap3A_607 = arith.index_cast %swap3A_602 : i32 to index
          %swap3A_608 = arith.index_cast %add3A_344 : i32 to index
          %swap3A_609 = tpu.vector_load %swap3A_606[%swap3A_607, %swap3A_608] {strides = array<i32>} : memref<8x512xf32, #tpu.memory_space<vmem>>, vector<1x16xf32>,
          %swap3A_610 = vector.shape_cast %swap3A_609 : vector<1x16xf32> to vector<16xf32>
          %swap3A_611 = vector.shape_cast %select_n3A_601 : vector<16xf32> to vector<1x16xf32>
          tpu.vector_store %swap3A_606[%swap3A_607, %swap3A_608], %swap3A_611 {strides = array<i32>} : memref<8x512xf32, #tpu.memory_space<vmem>>, vector<1x16xf32>,
          %gt3A_612 = arith.constant 5.000000e-01 : f32
          %gt3A_613 = vector.broadcast %gt3A_612 : f32 to vector<16xf32>
          %gt3A_614 = arith.cmpf ogt, %add3A_514, %gt3A_613 : vector<16xf32>
          %mul3A_615 = arith.mulf %mul3A_460, %div3A_526 : vector<16xf32>
          %jit3A_616 = arith.constant 1.250000e-01 : f32
          %broadcast_in_dim3A_617 = vector.broadcast %jit3A_616 : f32 to vector<16xf32>
          %select_n3A_618 = arith.select %gt3A_614, %mul3A_615, %broadcast_in_dim3A_617 : vector<16xi1>, vector<16xf32>
          %swap3A_619 = arith.constant 5 : i32
          %swap3A_620 = arith.constant 0 : i32
          %swap3A_621 = arith.constant 0 : i32
          %swap3A_622 = tpu.memref_slice %run_scoped3A_9[%rem3A_236, %swap3A_620, %swap3A_621] : memref<2x8x512xf32, #tpu.memory_space<vmem>> -> memref<1x8x512xf32, #tpu.memory_space<vmem>>
          %swap3A_623 = tpu.memref_squeeze %swap3A_622 : memref<1x8x512xf32, #tpu.memory_space<vmem>> -> memref<8x512xf32, #tpu.memory_space<vmem>>
          %swap3A_624 = arith.index_cast %swap3A_619 : i32 to index
          %swap3A_625 = arith.index_cast %add3A_344 : i32 to index
          %swap3A_626 = tpu.vector_load %swap3A_623[%swap3A_624, %swap3A_625] {strides = array<i32>} : memref<8x512xf32, #tpu.memory_space<vmem>>, vector<1x16xf32>,
          %swap3A_627 = vector.shape_cast %swap3A_626 : vector<1x16xf32> to vector<16xf32>
          %swap3A_628 = vector.shape_cast %select_n3A_618 : vector<16xf32> to vector<1x16xf32>
          tpu.vector_store %swap3A_623[%swap3A_624, %swap3A_625], %swap3A_628 {strides = array<i32>} : memref<8x512xf32, #tpu.memory_space<vmem>>, vector<1x16xf32>,
          %gt3A_629 = arith.constant 5.000000e-01 : f32
          %gt3A_630 = vector.broadcast %gt3A_629 : f32 to vector<16xf32>
          %gt3A_631 = arith.cmpf ogt, %add3A_514, %gt3A_630 : vector<16xf32>
          %mul3A_632 = arith.mulf %mul3A_480, %div3A_526 : vector<16xf32>
          %jit3A_633 = arith.constant 1.250000e-01 : f32
          %broadcast_in_dim3A_634 = vector.broadcast %jit3A_633 : f32 to vector<16xf32>
          %select_n3A_635 = arith.select %gt3A_631, %mul3A_632, %broadcast_in_dim3A_634 : vector<16xi1>, vector<16xf32>
          %swap3A_636 = arith.constant 6 : i32
          %swap3A_637 = arith.constant 0 : i32
          %swap3A_638 = arith.constant 0 : i32
          %swap3A_639 = tpu.memref_slice %run_scoped3A_9[%rem3A_236, %swap3A_637, %swap3A_638] : memref<2x8x512xf32, #tpu.memory_space<vmem>> -> memref<1x8x512xf32, #tpu.memory_space<vmem>>
          %swap3A_640 = tpu.memref_squeeze %swap3A_639 : memref<1x8x512xf32, #tpu.memory_space<vmem>> -> memref<8x512xf32, #tpu.memory_space<vmem>>
          %swap3A_641 = arith.index_cast %swap3A_636 : i32 to index
          %swap3A_642 = arith.index_cast %add3A_344 : i32 to index
          %swap3A_643 = tpu.vector_load %swap3A_640[%swap3A_641, %swap3A_642] {strides = array<i32>} : memref<8x512xf32, #tpu.memory_space<vmem>>, vector<1x16xf32>,
          %swap3A_644 = vector.shape_cast %swap3A_643 : vector<1x16xf32> to vector<16xf32>
          %swap3A_645 = vector.shape_cast %select_n3A_635 : vector<16xf32> to vector<1x16xf32>
          tpu.vector_store %swap3A_640[%swap3A_641, %swap3A_642], %swap3A_645 {strides = array<i32>} : memref<8x512xf32, #tpu.memory_space<vmem>>, vector<1x16xf32>,
          %gt3A_646 = arith.constant 5.000000e-01 : f32
          %gt3A_647 = vector.broadcast %gt3A_646 : f32 to vector<16xf32>
          %gt3A_648 = arith.cmpf ogt, %add3A_514, %gt3A_647 : vector<16xf32>
          %mul3A_649 = arith.mulf %mul3A_500, %div3A_526 : vector<16xf32>
          %jit3A_650 = arith.constant 1.250000e-01 : f32
          %broadcast_in_dim3A_651 = vector.broadcast %jit3A_650 : f32 to vector<16xf32>
          %select_n3A_652 = arith.select %gt3A_648, %mul3A_649, %broadcast_in_dim3A_651 : vector<16xi1>, vector<16xf32>
          %swap3A_653 = arith.constant 7 : i32
          %swap3A_654 = arith.constant 0 : i32
          %swap3A_655 = arith.constant 0 : i32
          %swap3A_656 = tpu.memref_slice %run_scoped3A_9[%rem3A_236, %swap3A_654, %swap3A_655] : memref<2x8x512xf32, #tpu.memory_space<vmem>> -> memref<1x8x512xf32, #tpu.memory_space<vmem>>
          %swap3A_657 = tpu.memref_squeeze %swap3A_656 : memref<1x8x512xf32, #tpu.memory_space<vmem>> -> memref<8x512xf32, #tpu.memory_space<vmem>>
          %swap3A_658 = arith.index_cast %swap3A_653 : i32 to index
          %swap3A_659 = arith.index_cast %add3A_344 : i32 to index
          %swap3A_660 = tpu.vector_load %swap3A_657[%swap3A_658, %swap3A_659] {strides = array<i32>} : memref<8x512xf32, #tpu.memory_space<vmem>>, vector<1x16xf32>,
          %swap3A_661 = vector.shape_cast %swap3A_660 : vector<1x16xf32> to vector<16xf32>
          %swap3A_662 = vector.shape_cast %select_n3A_652 : vector<16xf32> to vector<1x16xf32>
          tpu.vector_store %swap3A_657[%swap3A_658, %swap3A_659], %swap3A_662 {strides = array<i32>} : memref<8x512xf32, #tpu.memory_space<vmem>>, vector<1x16xf32>,
        }
        %scan3A_247 = arith.constant 32 : i32
        "tpu.trace_stop"() : () -> ()
        %ne3A_248 = arith.cmpi ne, %add3A_159, %add3A_177 : i32
        %or3A_249 = arith.constant false
        %or3A_250 = arith.ori %or3A_249, %ne3A_248 : i1
        %or3A_251 = arith.ori %or3A_250, %eq3A_158 : i1
        %convert_element_type3A_252 = arith.extui %or3A_251 : i1 to i32
        %cond3A_253 = arith.constant 0 : i32
        %cond3A_254 = arith.cmpi ne, %convert_element_type3A_252, %cond3A_253 : i32
        scf.if %cond3A_254 {
        } else {
        }
        %and3A_255 = arith.constant false
        %and3A_256 = arith.andi %or3A_251, %and3A_255 : i1
        %ne3A_257 = arith.cmpi ne, %add3A_159, %add3A_177 : i32
        %or3A_258 = arith.constant false
        %or3A_259 = arith.ori %or3A_258, %ne3A_257 : i1
        %or3A_260 = arith.ori %or3A_259, %eq3A_158 : i1
        %convert_element_type3A_261 = arith.extui %or3A_260 : i1 to i32
        %cond3A_262 = arith.constant 0 : i32
        %cond3A_263 = arith.cmpi ne, %convert_element_type3A_261, %cond3A_262 : i32
        scf.if %cond3A_263 {
          "tpu.trace_start"() <{level = 10 : i32, message = "ep_copy_out"}> : () -> ()
          %rem3A_340 = arith.constant 2 : i32
          %rem3A_341 = arith.remui %scan3A_150, %rem3A_340 : i32
          %mul3A_342 = arith.constant 512 : i32
          %mul3A_343 = arith.muli %mul3A_342, %add3A_159 : i32
          %dma_start3A_344 = arith.constant 0 : i32
          %dma_start3A_345 = arith.constant 0 : i32
          %dma_start3A_346 = tpu.memref_slice %run_scoped3A_9[%rem3A_341, %dma_start3A_344, %dma_start3A_345] : memref<2x8x512xf32, #tpu.memory_space<vmem>> -> memref<1x8x512xf32, #tpu.memory_space<vmem>>
          %dma_start3A_347 = tpu.memref_squeeze %dma_start3A_346 : memref<1x8x512xf32, #tpu.memory_space<vmem>> -> memref<8x512xf32, #tpu.memory_space<vmem>>
          %dma_start3A_348 = arith.constant 0 : i32
          %dma_start3A_349 = tpu.memref_slice %arg4[%dma_start3A_348, %mul3A_343] : memref<8x32768xf32, #tpu.memory_space<hbm>> -> memref<8x512xf32, #tpu.memory_space<hbm>>
          %dma_start3A_350 = tpu.memref_slice %run_scoped3A_10[%rem3A_341] : memref<2x!tpu.dma_semaphore, #tpu.memory_space<semaphore_mem>> -> memref<1x!tpu.dma_semaphore, #tpu.memory_space<semaphore_mem>>
          %dma_start3A_351 = tpu.memref_squeeze %dma_start3A_350 : memref<1x!tpu.dma_semaphore, #tpu.memory_space<semaphore_mem>> -> memref<!tpu.dma_semaphore, #tpu.memory_space<semaphore_mem>>
          %dma_start3A_352 = arith.constant 0 : i32
          %dma_start3A_353 = tpu.memref_slice %arg4[%dma_start3A_352, %mul3A_343] : memref<8x32768xf32, #tpu.memory_space<hbm>> -> memref<8x512xf32, #tpu.memory_space<hbm>>
          %dma_start3A_354 = arith.constant 0 : i32
          %dma_start3A_355 = arith.constant 0 : i32
          %dma_start3A_356 = tpu.memref_slice %run_scoped3A_9[%rem3A_341, %dma_start3A_354, %dma_start3A_355] : memref<2x8x512xf32, #tpu.memory_space<vmem>> -> memref<1x8x512xf32, #tpu.memory_space<vmem>>
          %dma_start3A_357 = tpu.memref_squeeze %dma_start3A_356 : memref<1x8x512xf32, #tpu.memory_space<vmem>> -> memref<8x512xf32, #tpu.memory_space<vmem>>
          tpu.enqueue_dma source(%dma_start3A_357 : memref<8x512xf32, #tpu.memory_space<vmem>>) target(%dma_start3A_353 : memref<8x512xf32, #tpu.memory_space<hbm>>) target_semaphore(%dma_start3A_351 : memref<!tpu.dma_semaphore, #tpu.memory_space<semaphore_mem>>)
          "tpu.trace_stop"() : () -> ()
        } else {
        }
        %and3A_264 = arith.constant true
        %and3A_265 = arith.andi %or3A_260, %and3A_264 : i1
        %add3A_266 = arith.constant 1 : i32
        %add3A_267 = arith.addi %scan3A_150, %add3A_266 : i32
        %select_n3A_268 = arith.select %and3A_265, %add3A_267, %scan3A_150 : i32
        %ne3A_269 = arith.cmpi ne, %add3A_159, %add3A_177 : i32
        %or3A_270 = arith.constant false
        %or3A_271 = arith.ori %or3A_270, %ne3A_269 : i1
        %or3A_272 = arith.ori %or3A_271, %eq3A_158 : i1
        %convert_element_type3A_273 = arith.extui %or3A_272 : i1 to i32
        %cond3A_274 = arith.constant 0 : i32
        %cond3A_275 = arith.cmpi ne, %convert_element_type3A_273, %cond3A_274 : i32
        scf.if %cond3A_275 {
          "tpu.trace_start"() <{level = 10 : i32, message = "ep_copy_out"}> : () -> ()
          %rem3A_340 = arith.constant 2 : i32
          %rem3A_341 = arith.remui %scan3A_152, %rem3A_340 : i32
          %mul3A_342 = arith.constant 512 : i32
          %mul3A_343 = arith.muli %mul3A_342, %add3A_159 : i32
          %dma_start3A_344 = arith.constant 0 : i32
          %dma_start3A_345 = arith.constant 0 : i32
          %dma_start3A_346 = tpu.memref_slice %run_scoped3A_11[%rem3A_341, %dma_start3A_344, %dma_start3A_345] : memref<2x1x512xi32, #tpu.memory_space<vmem>> -> memref<1x1x512xi32, #tpu.memory_space<vmem>>
          %dma_start3A_347 = tpu.memref_squeeze %dma_start3A_346 : memref<1x1x512xi32, #tpu.memory_space<vmem>> -> memref<1x512xi32, #tpu.memory_space<vmem>>
          %dma_start3A_348 = arith.constant 0 : i32
          %dma_start3A_349 = tpu.memref_slice %arg5[%dma_start3A_348, %mul3A_343] : memref<1x32768xi32, #tpu.memory_space<hbm>> -> memref<1x512xi32, #tpu.memory_space<hbm>>
          %dma_start3A_350 = tpu.memref_slice %run_scoped3A_12[%rem3A_341] : memref<2x!tpu.dma_semaphore, #tpu.memory_space<semaphore_mem>> -> memref<1x!tpu.dma_semaphore, #tpu.memory_space<semaphore_mem>>
          %dma_start3A_351 = tpu.memref_squeeze %dma_start3A_350 : memref<1x!tpu.dma_semaphore, #tpu.memory_space<semaphore_mem>> -> memref<!tpu.dma_semaphore, #tpu.memory_space<semaphore_mem>>
          %dma_start3A_352 = arith.constant 0 : i32
          %dma_start3A_353 = tpu.memref_slice %arg5[%dma_start3A_352, %mul3A_343] : memref<1x32768xi32, #tpu.memory_space<hbm>> -> memref<1x512xi32, #tpu.memory_space<hbm>>
          %dma_start3A_354 = arith.constant 0 : i32
          %dma_start3A_355 = arith.constant 0 : i32
          %dma_start3A_356 = tpu.memref_slice %run_scoped3A_11[%rem3A_341, %dma_start3A_354, %dma_start3A_355] : memref<2x1x512xi32, #tpu.memory_space<vmem>> -> memref<1x1x512xi32, #tpu.memory_space<vmem>>
          %dma_start3A_357 = tpu.memref_squeeze %dma_start3A_356 : memref<1x1x512xi32, #tpu.memory_space<vmem>> -> memref<1x512xi32, #tpu.memory_space<vmem>>
          tpu.enqueue_dma source(%dma_start3A_357 : memref<1x512xi32, #tpu.memory_space<vmem>>) target(%dma_start3A_353 : memref<1x512xi32, #tpu.memory_space<hbm>>) target_semaphore(%dma_start3A_351 : memref<!tpu.dma_semaphore, #tpu.memory_space<semaphore_mem>>)
          "tpu.trace_stop"() : () -> ()
        } else {
        }
        %and3A_276 = arith.constant true
        %and3A_277 = arith.andi %or3A_272, %and3A_276 : i1
        %add3A_278 = arith.constant 1 : i32
        %add3A_279 = arith.addi %scan3A_152, %add3A_278 : i32
        %select_n3A_280 = arith.select %and3A_277, %add3A_279, %scan3A_152 : i32
        %ne3A_281 = arith.cmpi ne, %add3A_159, %add3A_168 : i32
        %or3A_282 = arith.constant false
        %or3A_283 = arith.ori %or3A_282, %ne3A_281 : i1
        %not3A_284 = arith.constant true
        %not3A_285 = arith.xori %eq3A_156, %not3A_284 : i1
        %and3A_286 = arith.andi %or3A_283, %not3A_285 : i1
        %convert_element_type3A_287 = arith.extui %and3A_286 : i1 to i32
        %cond3A_288 = arith.constant 0 : i32
        %cond3A_289 = arith.cmpi ne, %convert_element_type3A_287, %cond3A_288 : i32
        scf.if %cond3A_289 {
        } else {
        }
        %and3A_290 = arith.constant false
        %and3A_291 = arith.andi %and3A_286, %and3A_290 : i1
        %ne3A_292 = arith.cmpi ne, %add3A_159, %add3A_168 : i32
        %or3A_293 = arith.constant false
        %or3A_294 = arith.ori %or3A_293, %ne3A_292 : i1
        %not3A_295 = arith.constant true
        %not3A_296 = arith.xori %eq3A_156, %not3A_295 : i1
        %and3A_297 = arith.andi %or3A_294, %not3A_296 : i1
        %convert_element_type3A_298 = arith.extui %and3A_297 : i1 to i32
        %cond3A_299 = arith.constant 0 : i32
        %cond3A_300 = arith.cmpi ne, %convert_element_type3A_298, %cond3A_299 : i32
        scf.if %cond3A_300 {
          "tpu.trace_start"() <{level = 10 : i32, message = "ep_wait_out"}> : () -> ()
          %rem3A_340 = arith.constant 2 : i32
          %rem3A_341 = arith.remui %scan3A_151, %rem3A_340 : i32
          %mul3A_342 = arith.constant 512 : i32
          %mul3A_343 = arith.muli %mul3A_342, %add3A_168 : i32
          %dma_wait3A_344 = arith.constant 0 : i32
          %dma_wait3A_345 = arith.constant 0 : i32
          %dma_wait3A_346 = tpu.memref_slice %run_scoped3A_9[%rem3A_341, %dma_wait3A_344, %dma_wait3A_345] : memref<2x8x512xf32, #tpu.memory_space<vmem>> -> memref<1x8x512xf32, #tpu.memory_space<vmem>>
          %dma_wait3A_347 = tpu.memref_squeeze %dma_wait3A_346 : memref<1x8x512xf32, #tpu.memory_space<vmem>> -> memref<8x512xf32, #tpu.memory_space<vmem>>
          %dma_wait3A_348 = arith.constant 0 : i32
          %dma_wait3A_349 = tpu.memref_slice %arg4[%dma_wait3A_348, %mul3A_343] : memref<8x32768xf32, #tpu.memory_space<hbm>> -> memref<8x512xf32, #tpu.memory_space<hbm>>
          %dma_wait3A_350 = tpu.memref_slice %run_scoped3A_10[%rem3A_341] : memref<2x!tpu.dma_semaphore, #tpu.memory_space<semaphore_mem>> -> memref<1x!tpu.dma_semaphore, #tpu.memory_space<semaphore_mem>>
          %dma_wait3A_351 = tpu.memref_squeeze %dma_wait3A_350 : memref<1x!tpu.dma_semaphore, #tpu.memory_space<semaphore_mem>> -> memref<!tpu.dma_semaphore, #tpu.memory_space<semaphore_mem>>
          %dma_wait3A_352 = arith.constant 0 : i32
          %dma_wait3A_353 = tpu.memref_slice %arg4[%dma_wait3A_352, %mul3A_343] : memref<8x32768xf32, #tpu.memory_space<hbm>> -> memref<8x512xf32, #tpu.memory_space<hbm>>
          %dma_wait3A_354 = arith.constant 0 : i32
          %dma_wait3A_355 = arith.constant 0 : i32
          %dma_wait3A_356 = tpu.memref_slice %run_scoped3A_9[%rem3A_341, %dma_wait3A_354, %dma_wait3A_355] : memref<2x8x512xf32, #tpu.memory_space<vmem>> -> memref<1x8x512xf32, #tpu.memory_space<vmem>>
          %dma_wait3A_357 = tpu.memref_squeeze %dma_wait3A_356 : memref<1x8x512xf32, #tpu.memory_space<vmem>> -> memref<8x512xf32, #tpu.memory_space<vmem>>
          tpu.wait_dma2 semaphore(%dma_wait3A_351 : memref<!tpu.dma_semaphore, #tpu.memory_space<semaphore_mem>>) src(%dma_wait3A_357 : memref<8x512xf32, #tpu.memory_space<vmem>>) dst(%dma_wait3A_353 : memref<8x512xf32, #tpu.memory_space<hbm>>)
          "tpu.trace_stop"() : () -> ()
        } else {
        }
        %and3A_301 = arith.constant true
        %and3A_302 = arith.andi %and3A_297, %and3A_301 : i1
        %add3A_303 = arith.constant 1 : i32
        %add3A_304 = arith.addi %scan3A_151, %add3A_303 : i32
        %select_n3A_305 = arith.select %and3A_302, %add3A_304, %scan3A_151 : i32
        %ne3A_306 = arith.cmpi ne, %add3A_159, %add3A_168 : i32
        %or3A_307 = arith.constant false
        %or3A_308 = arith.ori %or3A_307, %ne3A_306 : i1
        %not3A_309 = arith.constant true
        %not3A_310 = arith.xori %eq3A_156, %not3A_309 : i1
        %and3A_311 = arith.andi %or3A_308, %not3A_310 : i1
        %convert_element_type3A_312 = arith.extui %and3A_311 : i1 to i32
        %cond3A_313 = arith.constant 0 : i32
        %cond3A_314 = arith.cmpi ne, %convert_element_type3A_312, %cond3A_313 : i32
        scf.if %cond3A_314 {
          "tpu.trace_start"() <{level = 10 : i32, message = "ep_wait_out"}> : () -> ()
          %rem3A_340 = arith.constant 2 : i32
          %rem3A_341 = arith.remui %scan3A_153, %rem3A_340 : i32
          %mul3A_342 = arith.constant 512 : i32
          %mul3A_343 = arith.muli %mul3A_342, %add3A_168 : i32
          %dma_wait3A_344 = arith.constant 0 : i32
          %dma_wait3A_345 = arith.constant 0 : i32
          %dma_wait3A_346 = tpu.memref_slice %run_scoped3A_11[%rem3A_341, %dma_wait3A_344, %dma_wait3A_345] : memref<2x1x512xi32, #tpu.memory_space<vmem>> -> memref<1x1x512xi32, #tpu.memory_space<vmem>>
          %dma_wait3A_347 = tpu.memref_squeeze %dma_wait3A_346 : memref<1x1x512xi32, #tpu.memory_space<vmem>> -> memref<1x512xi32, #tpu.memory_space<vmem>>
          %dma_wait3A_348 = arith.constant 0 : i32
          %dma_wait3A_349 = tpu.memref_slice %arg5[%dma_wait3A_348, %mul3A_343] : memref<1x32768xi32, #tpu.memory_space<hbm>> -> memref<1x512xi32, #tpu.memory_space<hbm>>
          %dma_wait3A_350 = tpu.memref_slice %run_scoped3A_12[%rem3A_341] : memref<2x!tpu.dma_semaphore, #tpu.memory_space<semaphore_mem>> -> memref<1x!tpu.dma_semaphore, #tpu.memory_space<semaphore_mem>>
          %dma_wait3A_351 = tpu.memref_squeeze %dma_wait3A_350 : memref<1x!tpu.dma_semaphore, #tpu.memory_space<semaphore_mem>> -> memref<!tpu.dma_semaphore, #tpu.memory_space<semaphore_mem>>
          %dma_wait3A_352 = arith.constant 0 : i32
          %dma_wait3A_353 = tpu.memref_slice %arg5[%dma_wait3A_352, %mul3A_343] : memref<1x32768xi32, #tpu.memory_space<hbm>> -> memref<1x512xi32, #tpu.memory_space<hbm>>
          %dma_wait3A_354 = arith.constant 0 : i32
          %dma_wait3A_355 = arith.constant 0 : i32
          %dma_wait3A_356 = tpu.memref_slice %run_scoped3A_11[%rem3A_341, %dma_wait3A_354, %dma_wait3A_355] : memref<2x1x512xi32, #tpu.memory_space<vmem>> -> memref<1x1x512xi32, #tpu.memory_space<vmem>>
          %dma_wait3A_357 = tpu.memref_squeeze %dma_wait3A_356 : memref<1x1x512xi32, #tpu.memory_space<vmem>> -> memref<1x512xi32, #tpu.memory_space<vmem>>
          tpu.wait_dma2 semaphore(%dma_wait3A_351 : memref<!tpu.dma_semaphore, #tpu.memory_space<semaphore_mem>>) src(%dma_wait3A_357 : memref<1x512xi32, #tpu.memory_space<vmem>>) dst(%dma_wait3A_353 : memref<1x512xi32, #tpu.memory_space<hbm>>)
          "tpu.trace_stop"() : () -> ()
        } else {
        }
        %and3A_315 = arith.constant true
        %and3A_316 = arith.andi %and3A_311, %and3A_315 : i1
        %add3A_317 = arith.constant 1 : i32
        %add3A_318 = arith.addi %scan3A_153, %add3A_317 : i32
        %select_n3A_319 = arith.select %and3A_316, %add3A_318, %scan3A_153 : i32
        %ne3A_320 = arith.cmpi ne, %add3A_159, %add3A_177 : i32
        %or3A_321 = arith.constant false
        %or3A_322 = arith.ori %or3A_321, %ne3A_320 : i1
        %or3A_323 = arith.ori %or3A_322, %eq3A_158 : i1
        %add3A_324 = arith.constant 1 : i32
        %add3A_325 = arith.addi %scan3A_148, %add3A_324 : i32
        %select_n3A_326 = arith.select %or3A_323, %add3A_325, %scan3A_148 : i32
        %or3A_327 = arith.constant false
        %or3A_328 = arith.ori %or3A_327, %eq3A_158 : i1
        %add3A_329 = arith.constant 1 : i32
        %add3A_330 = arith.addi %scan3A_149, %add3A_329 : i32
        %select_n3A_331 = arith.select %or3A_328, %add3A_330, %scan3A_149 : i32
        %add3A_332 = arith.constant 1 : i32
        %add3A_333 = arith.addi %scan3A_154, %add3A_332 : i32
        %select_n3A_334 = arith.constant true
        %select_n3A_335 = arith.select %select_n3A_334, %add3A_333, %scan3A_154 : i32
        %eq3A_336 = arith.constant 2 : i32
        %eq3A_337 = arith.cmpi eq, %select_n3A_335, %eq3A_336 : i32
        %select_n3A_338 = arith.constant 0 : i32
        %select_n3A_339 = arith.select %eq3A_337, %select_n3A_338, %select_n3A_335 : i32
        scf.yield %select_n3A_195, %select_n3A_326, %select_n3A_331, %select_n3A_268, %select_n3A_305, %select_n3A_280, %select_n3A_319, %select_n3A_339 : i32, i32, i32, i32, i32, i32, i32, i32
      }
      %scan3A_75 = arith.constant 2 : i32
      %sub3A = arith.constant 1 : i32
      %sub3A_76 = arith.subi %scan3A_74#7, %sub3A : i32
      %select_n3A_77 = arith.constant true
      %select_n3A_78 = arith.select %select_n3A_77, %sub3A_76, %scan3A_74#7 : i32
      %eq3A_79 = arith.constant -1 : i32
      %eq3A_80 = arith.cmpi eq, %select_n3A_78, %eq3A_79 : i32
      %select_n3A_81 = arith.constant 1 : i32
      %select_n3A_82 = arith.select %eq3A_80, %select_n3A_81, %select_n3A_78 : i32
      %add3A_83 = arith.addi %select_n3A_82, %mul3A_6 : i32
      %sub3A_84 = arith.constant 1 : i32
      %sub3A_85 = arith.subi %select_n3A_82, %sub3A_84 : i32
      %select_n3A_86 = arith.constant true
      %select_n3A_87 = arith.select %select_n3A_86, %sub3A_85, %select_n3A_82 : i32
      %eq3A_88 = arith.constant -1 : i32
      %eq3A_89 = arith.cmpi eq, %select_n3A_87, %eq3A_88 : i32
      %select_n3A_90 = arith.constant 1 : i32
      %select_n3A_91 = arith.select %eq3A_89, %select_n3A_90, %select_n3A_87 : i32
      %add3A_92 = arith.addi %select_n3A_91, %mul3A_6 : i32
      %add3A_93 = arith.constant 1 : i32
      %add3A_94 = arith.addi %select_n3A_82, %add3A_93 : i32
      %select_n3A_95 = arith.constant true
      %select_n3A_96 = arith.select %select_n3A_95, %add3A_94, %select_n3A_82 : i32
      %eq3A_97 = arith.constant 2 : i32
      %eq3A_98 = arith.cmpi eq, %select_n3A_96, %eq3A_97 : i32
      %select_n3A_99 = arith.constant 0 : i32
      %select_n3A_100 = arith.select %eq3A_98, %select_n3A_99, %select_n3A_96 : i32
      %add3A_101 = arith.addi %select_n3A_100, %mul3A_6 : i32
      %add3A_102 = arith.constant 1 : i32
      %add3A_103 = arith.addi %select_n3A_100, %add3A_102 : i32
      %select_n3A_104 = arith.constant true
      %select_n3A_105 = arith.select %select_n3A_104, %add3A_103, %select_n3A_100 : i32
      %eq3A_106 = arith.constant 2 : i32
      %eq3A_107 = arith.cmpi eq, %select_n3A_105, %eq3A_106 : i32
      %select_n3A_108 = arith.constant 0 : i32
      %select_n3A_109 = arith.select %eq3A_107, %select_n3A_108, %select_n3A_105 : i32
      %add3A_110 = arith.addi %select_n3A_109, %mul3A_6 : i32
      "tpu.trace_start"() <{level = 10 : i32, message = "ep_finalize"}> : () -> ()
      %rem3A_111 = arith.constant 2 : i32
      %rem3A_112 = arith.remui %scan3A_74#4, %rem3A_111 : i32
      %mul3A_113 = arith.constant 512 : i32
      %mul3A_114 = arith.muli %mul3A_113, %add3A_83 : i32
      %dma_wait3A = arith.constant 0 : i32
      %dma_wait3A_115 = arith.constant 0 : i32
      %dma_wait3A_116 = tpu.memref_slice %run_scoped3A_9[%rem3A_112, %dma_wait3A, %dma_wait3A_115] : memref<2x8x512xf32, #tpu.memory_space<vmem>> -> memref<1x8x512xf32, #tpu.memory_space<vmem>>
      %dma_wait3A_117 = tpu.memref_squeeze %dma_wait3A_116 : memref<1x8x512xf32, #tpu.memory_space<vmem>> -> memref<8x512xf32, #tpu.memory_space<vmem>>
      %dma_wait3A_118 = arith.constant 0 : i32
      %dma_wait3A_119 = tpu.memref_slice %arg4[%dma_wait3A_118, %mul3A_114] : memref<8x32768xf32, #tpu.memory_space<hbm>> -> memref<8x512xf32, #tpu.memory_space<hbm>>
      %dma_wait3A_120 = tpu.memref_slice %run_scoped3A_10[%rem3A_112] : memref<2x!tpu.dma_semaphore, #tpu.memory_space<semaphore_mem>> -> memref<1x!tpu.dma_semaphore, #tpu.memory_space<semaphore_mem>>
      %dma_wait3A_121 = tpu.memref_squeeze %dma_wait3A_120 : memref<1x!tpu.dma_semaphore, #tpu.memory_space<semaphore_mem>> -> memref<!tpu.dma_semaphore, #tpu.memory_space<semaphore_mem>>
      %dma_wait3A_122 = arith.constant 0 : i32
      %dma_wait3A_123 = tpu.memref_slice %arg4[%dma_wait3A_122, %mul3A_114] : memref<8x32768xf32, #tpu.memory_space<hbm>> -> memref<8x512xf32, #tpu.memory_space<hbm>>
      %dma_wait3A_124 = arith.constant 0 : i32
      %dma_wait3A_125 = arith.constant 0 : i32
      %dma_wait3A_126 = tpu.memref_slice %run_scoped3A_9[%rem3A_112, %dma_wait3A_124, %dma_wait3A_125] : memref<2x8x512xf32, #tpu.memory_space<vmem>> -> memref<1x8x512xf32, #tpu.memory_space<vmem>>
      %dma_wait3A_127 = tpu.memref_squeeze %dma_wait3A_126 : memref<1x8x512xf32, #tpu.memory_space<vmem>> -> memref<8x512xf32, #tpu.memory_space<vmem>>
      tpu.wait_dma2 semaphore(%dma_wait3A_121 : memref<!tpu.dma_semaphore, #tpu.memory_space<semaphore_mem>>) src(%dma_wait3A_127 : memref<8x512xf32, #tpu.memory_space<vmem>>) dst(%dma_wait3A_123 : memref<8x512xf32, #tpu.memory_space<hbm>>)
      %rem3A_128 = arith.constant 2 : i32
      %rem3A_129 = arith.remui %scan3A_74#6, %rem3A_128 : i32
      %mul3A_130 = arith.constant 512 : i32
      %mul3A_131 = arith.muli %mul3A_130, %add3A_83 : i32
      %dma_wait3A_132 = arith.constant 0 : i32
      %dma_wait3A_133 = arith.constant 0 : i32
      %dma_wait3A_134 = tpu.memref_slice %run_scoped3A_11[%rem3A_129, %dma_wait3A_132, %dma_wait3A_133] : memref<2x1x512xi32, #tpu.memory_space<vmem>> -> memref<1x1x512xi32, #tpu.memory_space<vmem>>
      %dma_wait3A_135 = tpu.memref_squeeze %dma_wait3A_134 : memref<1x1x512xi32, #tpu.memory_space<vmem>> -> memref<1x512xi32, #tpu.memory_space<vmem>>
      %dma_wait3A_136 = arith.constant 0 : i32
      %dma_wait3A_137 = tpu.memref_slice %arg5[%dma_wait3A_136, %mul3A_131] : memref<1x32768xi32, #tpu.memory_space<hbm>> -> memref<1x512xi32, #tpu.memory_space<hbm>>
      %dma_wait3A_138 = tpu.memref_slice %run_scoped3A_12[%rem3A_129] : memref<2x!tpu.dma_semaphore, #tpu.memory_space<semaphore_mem>> -> memref<1x!tpu.dma_semaphore, #tpu.memory_space<semaphore_mem>>
      %dma_wait3A_139 = tpu.memref_squeeze %dma_wait3A_138 : memref<1x!tpu.dma_semaphore, #tpu.memory_space<semaphore_mem>> -> memref<!tpu.dma_semaphore, #tpu.memory_space<semaphore_mem>>
      %dma_wait3A_140 = arith.constant 0 : i32
      %dma_wait3A_141 = tpu.memref_slice %arg5[%dma_wait3A_140, %mul3A_131] : memref<1x32768xi32, #tpu.memory_space<hbm>> -> memref<1x512xi32, #tpu.memory_space<hbm>>
      %dma_wait3A_142 = arith.constant 0 : i32
      %dma_wait3A_143 = arith.constant 0 : i32
      %dma_wait3A_144 = tpu.memref_slice %run_scoped3A_11[%rem3A_129, %dma_wait3A_142, %dma_wait3A_143] : memref<2x1x512xi32, #tpu.memory_space<vmem>> -> memref<1x1x512xi32, #tpu.memory_space<vmem>>
      %dma_wait3A_145 = tpu.memref_squeeze %dma_wait3A_144 : memref<1x1x512xi32, #tpu.memory_space<vmem>> -> memref<1x512xi32, #tpu.memory_space<vmem>>
      tpu.wait_dma2 semaphore(%dma_wait3A_139 : memref<!tpu.dma_semaphore, #tpu.memory_space<semaphore_mem>>) src(%dma_wait3A_145 : memref<1x512xi32, #tpu.memory_space<vmem>>) dst(%dma_wait3A_141 : memref<1x512xi32, #tpu.memory_space<hbm>>)
      "tpu.trace_stop"() : () -> ()
      tpu.yield
    }) : () -> ()
    return
  }
}

module attributes {stable_mosaic.version = 14 : i64} {
  func.func @_dense_block(%arg0: i32, %arg1: memref<768x8xf32, #tpu.memory_space<vmem>>, %arg2: memref<1x1xf32, #tpu.memory_space<vmem>>, %arg3: memref<4096x768xf32, #tpu.memory_space<vmem>>, %arg4: memref<8x4096xf32, #tpu.memory_space<vmem>>, %arg5: memref<768x8xbf16, #tpu.memory_space<vmem>>) attributes {dimension_semantics = [#tpu.dimension_semantics<arbitrary>], iteration_bounds = array<i64: 8>, scalar_prefetch = 0 : i64, scratch_operands = 1 : i64, tpu.core_type = #tpu.core_type<tc>, window_params = [{pipeline_mode = #tpu.pipeline_mode<synchronous>, transform_indices = @transform_0, window_bounds = array<i64: 768, 8>}, {pipeline_mode = #tpu.pipeline_mode<synchronous>, transform_indices = @transform_1, window_bounds = array<i64: 1, 1>}, {transform_indices = @transform_2, window_bounds = array<i64: 4096, 768>}, {transform_indices = @transform_3, window_bounds = array<i64: 8, 4096>}]} {
    %eq3A = arith.constant 0 : i32
    %eq3A_0 = arith.cmpi eq, %arg0, %eq3A : i32
    %convert_element_type3A = arith.extui %eq3A_0 : i1 to i32
    %cond3A = arith.constant 0 : i32
    %cond3A_1 = arith.cmpi ne, %convert_element_type3A, %cond3A : i32
    scf.if %cond3A_1 {
      %get3A_15 = arith.constant 0 : index
      %get3A_16 = arith.constant 0 : index
      %get3A_17 = vector.load %arg1[%get3A_15, %get3A_16] : memref<768x8xf32, #tpu.memory_space<vmem>>, vector<768x8xf32>
      %mul3A_18 = arith.mulf %get3A_17, %get3A_17 : vector<768x8xf32>
      %reduce_sum3A_19 = arith.constant dense<0.000000e+00> : vector<8xf32>
      %reduce_sum3A_20 = vector.multi_reduction <add>, %mul3A_18, %reduce_sum3A_19 [0] : vector<768x8xf32> to vector<8xf32>
      %broadcast_in_dim3A_21 = vector.shape_cast %reduce_sum3A_20 : vector<8xf32> to vector<1x8xf32>
      %sqrt3A_22 = math.sqrt %broadcast_in_dim3A_21 : vector<1x8xf32>
      %max3A_23 = arith.constant 9.99999996E-13 : f32
      %max3A_24 = vector.broadcast %max3A_23 : f32 to vector<1x8xf32>
      %max3A_25 = arith.maximumf %sqrt3A_22, %max3A_24 : vector<1x8xf32>
      %div3A_26 = vector.broadcast %max3A_25 : vector<1x8xf32> to vector<768x8xf32>
      %div3A_27 = arith.divf %get3A_17, %div3A_26 : vector<768x8xf32>
      %convert_element_type3A_28 = arith.truncf %div3A_27 : vector<768x8xf32> to vector<768x8xbf16>
      %swap3A_29 = arith.constant 0 : index
      %swap3A_30 = arith.constant 0 : index
      %swap3A_31 = vector.load %arg5[%swap3A_29, %swap3A_30] : memref<768x8xbf16, #tpu.memory_space<vmem>>, vector<768x8xbf16>
      tpu.vector_store %arg5[%swap3A_29, %swap3A_30], %convert_element_type3A_28 {strides = array<i32>} : memref<768x8xbf16, #tpu.memory_space<vmem>>, vector<768x8xbf16>,
    } else {
    }
    %get3A = arith.constant 0 : index
    %get3A_2 = arith.constant 0 : index
    %get3A_3 = vector.load %arg3[%get3A, %get3A_2] : memref<4096x768xf32, #tpu.memory_space<vmem>>, vector<4096x768xf32>
    %mul3A = arith.mulf %get3A_3, %get3A_3 : vector<4096x768xf32>
    %reduce_sum3A = arith.constant dense<0.000000e+00> : vector<4096xf32>
    %reduce_sum3A_4 = vector.multi_reduction <add>, %mul3A, %reduce_sum3A [1] : vector<4096x768xf32> to vector<4096xf32>
    %broadcast_in_dim3A = vector.shape_cast %reduce_sum3A_4 : vector<4096xf32> to vector<4096x1xf32>
    %sqrt3A = math.sqrt %broadcast_in_dim3A : vector<4096x1xf32>
    %max3A = arith.constant 9.99999996E-13 : f32
    %max3A_5 = vector.broadcast %max3A : f32 to vector<4096x1xf32>
    %max3A_6 = arith.maximumf %sqrt3A, %max3A_5 : vector<4096x1xf32>
    %div3A = vector.broadcast %max3A_6 : vector<4096x1xf32> to vector<4096x768xf32>
    %div3A_7 = arith.divf %get3A_3, %div3A : vector<4096x768xf32>
    %convert_element_type3A_8 = arith.truncf %div3A_7 : vector<4096x768xf32> to vector<4096x768xbf16>
    %get3A_9 = arith.constant 0 : index
    %get3A_10 = arith.constant 0 : index
    %get3A_11 = vector.load %arg5[%get3A_9, %get3A_10] : memref<768x8xbf16, #tpu.memory_space<vmem>>, vector<768x8xbf16>
    %dot_general3A = arith.constant dense<0.000000e+00> : vector<4096x8xf32>
    %dot_general3A_12 = tpu.matmul %convert_element_type3A_8, %get3A_11, %dot_general3A {dimension_numbers = #tpu.dot_dimension_numbers<[1], [0], [0], [1], [0, 0, 1, 1], [], []>, transpose_lhs_hint = false} : vector<4096x768xbf16>, vector<768x8xbf16>, vector<4096x8xf32> -> vector<4096x8xf32>
    %transpose3A = tpu.transpose %dot_general3A_12, [1, 0] : vector<4096x8xf32> -> vector<8x4096xf32>
    %swap3A = arith.constant 0 : index
    %swap3A_13 = arith.constant 0 : index
    %swap3A_14 = vector.load %arg4[%swap3A, %swap3A_13] : memref<8x4096xf32, #tpu.memory_space<vmem>>, vector<8x4096xf32>
    tpu.vector_store %arg4[%swap3A, %swap3A_13], %transpose3A {strides = array<i32>} : memref<8x4096xf32, #tpu.memory_space<vmem>>, vector<8x4096xf32>,
    return
  }
  func.func @transform_0(%arg0: i32) -> (i32, i32) {
    %c0_i32 = arith.constant 0 : i32
    %c0_i32_0 = arith.constant 0 : i32
    %c0_i32_1 = arith.constant 0 : i32
    return %c0_i32, %c0_i32_0 : i32, i32
  }
  func.func @transform_1(%arg0: i32) -> (i32, i32) {
    %c0_i32 = arith.constant 0 : i32
    %c0_i32_0 = arith.constant 0 : i32
    %c0_i32_1 = arith.constant 0 : i32
    return %c0_i32, %c0_i32_0 : i32, i32
  }
  func.func @transform_2(%arg0: i32) -> (i32, i32) {
    %c0_i32 = arith.constant 0 : i32
    %c0_i32_0 = arith.constant 0 : i32
    return %arg0, %c0_i32 : i32, i32
  }
  func.func @transform_3(%arg0: i32) -> (i32, i32) {
    %c0_i32 = arith.constant 0 : i32
    %c0_i32_0 = arith.constant 0 : i32
    return %c0_i32, %arg0 : i32, i32
  }
}

</mosaic_0001>

<sc_bundles>
// kernel: kernel.4.cloned.1.call-start
scs
__scs_entry_jumppad:
0x0: {  	(pc) =	sbr.rel $0x88, $3  }
0x1: {  	(tag) =	ssettag $0x0;
	lr =	simm.s32 $0x1  }
0x2: {  	[smem:$0x3F9E] =	sst lr;
	_ =	strace $0xD0000000  }
0x3: {  	_ = 	snop  }
0x4: {  	_ = 	snop  }
0x5: {  	_ = 	snop  }
0x6: {  	_ = 	snop  }
0x7: {  	_ = 	snop  }
__scs_overlays_trampoline_lowered:
0x8: {  	[smem:$0x3FAD] =	sst s0  }
0x9: {  	[smem:$0x3FAE] =	sst s1  }
0xa: {  	[smem:$0x3FAF] =	sst s2  }
0xb: {  	[smem:$0x3FB0] =	sst s3  }
0xc: {  	[smem:$0x3FB1] =	sst s4  }
0xd: {  	[smem:$0x3FB2] =	sst s5  }
0xe: {  	[smem:$0x3FB3] =	sst s6  }
0xf: {  	[smem:$0x3FB4] =	sst s7  }
0x10: {  	[smem:$0x3FB5] =	sst s8  }
0x11: {  	[smem:$0x3FB6] =	sst s9;
	s0 =	simm.s32 @!p0 $0x0  }
0x12: {  	s1 =	sld [smem:$0x3F9C];
	s0 =	simm.s32 @p0 $0x1  }
0x13: {  	[smem:$0x3FB7] =	sst s0;
	s0 =	simm.s32 @!p1 $0x0  }
0x14: {  	s2 =	sld [smem:$0x3F9B];
	s0 =	simm.s32 @p1 $0x1  }
0x15: {  	[smem:$0x3FB8] =	sst s0;
	s0 =	simm.s32 @!p2 $0x0  }
0x16: {  	s3 =	sld [smem:$0x3FDB];
	s0 =	simm.s32 @p2 $0x1  }
0x17: {  	s4 =	simm.s32 $0x1BF5;
	[smem:$0x3FBA] =	sst s0  }
0x18: {  	s0 =	sld [smem:$0x3F9D];
	_ =	swait.ge [sflag:s4], $0x0  }
0x19: {  	s7 =	sld [smem:$0x3F9E]  }
0x1a: {  	s8 =	sadd.s32 $0xFFFFE003, lr  }
0x1b: {  	s9 =	sadd.s32 $0xFFFFFEF7, lr;
	s5 =	simm.s32 $0xFFFFFFFF;
	p2 =	slt.u32 s8, $0xFFFFF086  }
0x1c: {  	p1 =	slt.u32 s9, $0xF7A;
	s5 =	simm.s32 @!p2 $0x0  }
0x1d: {  	s5 =	simm.s32 @p1 $0x1;
	p0 =	seq.s32 s7, s2  }
0x1e: {  	s7 =	smul.u32 @!p0 $0xF7A, s2;
	p2 =	seq.s32 @!p0 s5, $0x0  }
0x1f: {  	s9 =	smul.u32 $0xF7A, s1;
	s8 =	simm.s32 @!p0 $0x1BF5;
	p2 =	por !p2, p0  }
0x20: {  	[sflag:s8] =	ssyncset.s32 @!p0 $0xFFFFF086;
	s6 =	sadd.s32 @!p0 s3, s7;
	s7 =	simm.s32 @!p0 $0x108  }
0x21: {  	s3 =	sadd.s32 s3, s9;
	s6 =	sadd.s32 @!p0 $0x88, s6;
	s7 =	simm.s32 @p2 $0x1082  }
0x22: {  	[simem:s7], [sflag:s8] =	dma.local @!p0 [hbm:s6], $0xF7A  }
0x23: {  	s9 =	sor.u32 $0xD0000000, s2;
	s6 =	simm.s32 $0x108;
	_ =	swait.ge @!p0 [sflag:s8], $0x0  }
0x24: {  	s3 =	sadd.s32 $0x88, s3;
	s6 =	simm.s32 @!p1 $0x1082;
	[sflag:s4] =	ssyncset.s32 $0xFFFFF086  }
0x25: {  	[simem:s6], [sflag:s4] =	dma.local [hbm:s3], $0xF7A  }
0x26: {  	[smem:$0x3F9E] =	sst s1;
	(tag) =	ssettag s2;
	_ =	strace s9  }
0x27: {  	s1 =	sld [smem:$0x3FAE]  }
0x28: {  	s2 =	sld [smem:$0x3FAF]  }
0x29: {  	s4 =	sld [smem:$0x3FB1]  }
0x2a: {  	p0 =	seq.s32 s5, $0x0;
	s5 =	sld [smem:$0x3FB2]  }
0x2b: {  	s6 =	sld [smem:$0x3FB3]  }
0x2c: {  	s7 =	sld [smem:$0x3FB4]  }
0x2d: {  	s3 =	simm.s32 $0x108;
	s8 =	sld [smem:$0x3FB5]  }
0x2e: {  	s3 =	simm.s32 @!p0 $0x1082;
	s9 =	sld [smem:$0x3FB6]  }
0x2f: {  	lr =	sadd.s32 s0, s3;
	s0 =	sld [smem:$0x3FAD]  }
0x30: {  	s3 =	sld [smem:$0x3FB0]  }
0x31: {  	[smem:$0x3FB9] =	sst s10  }
0x32: {  	s10 =	sld [smem:$0x3FB7];
	_ =	sdelay $0x3  }
0x33: {  	p0 =	seq.s32 s10, $0x1;
	s10 =	sld [smem:$0x3FB9];
	_ =	sdelay $0x3  }
0x34: {  	[smem:$0x3FB9] =	sst s10  }
0x35: {  	s10 =	sld [smem:$0x3FB8];
	_ =	sdelay $0x3  }
0x36: {  	p1 =	seq.s32 s10, $0x1;
	s10 =	sld [smem:$0x3FB9];
	_ =	sdelay $0x3  }
0x37: {  	[smem:$0x3FB9] =	sst s10  }
0x38: {  	s10 =	sld [smem:$0x3FBA]  }
0x39: {  	_ = 	snop;
	(pc) =	sbr.ind lr, $3  }
0x3a: {  	_ = 	snop  }
0x3b: {  	_ = 	snop  }
0x3c: {  	p2 =	seq.s32 s10, $0x1;
	s10 =	sld [smem:$0x3FB9]  }
0x3d: {  	_ =	shalt  }
0x3e: {  	_ =	shalt  }
0x3f: {  	_ =	shalt  }
0x40: {  	_ =	shalt  }
0x41: {  	_ =	shalt  }
0x42: {  	_ =	shalt  }
0x43: {  	_ =	shalt  }
0x44: {  	_ =	shalt  }
0x45: {  	_ =	shalt  }
0x46: {  	_ =	shalt  }
0x47: {  	_ =	shalt  }
0x48: {  	_ =	shalt  }
0x49: {  	_ =	shalt  }
0x4a: {  	_ =	shalt  }
0x4b: {  	_ =	shalt  }
0x4c: {  	_ =	shalt  }
0x4d: {  	_ =	shalt  }
0x4e: {  	_ =	shalt  }
0x4f: {  	_ =	shalt  }
0x50: {  	_ =	shalt  }
0x51: {  	_ =	shalt  }
0x52: {  	_ =	shalt  }
0x53: {  	_ =	shalt  }
0x54: {  	_ =	shalt  }
0x55: {  	_ =	shalt  }
0x56: {  	_ =	shalt  }
0x57: {  	_ =	shalt  }
0x58: {  	_ =	shalt  }
0x59: {  	_ =	shalt  }
0x5a: {  	_ =	shalt  }
0x5b: {  	_ =	shalt  }
0x5c: {  	_ =	shalt  }
0x5d: {  	_ =	shalt  }
0x5e: {  	_ =	shalt  }
0x5f: {  	_ =	shalt  }
0x60: {  	_ =	shalt  }
0x61: {  	_ =	shalt  }
0x62: {  	_ =	shalt  }
0x63: {  	_ =	shalt  }
0x64: {  	_ =	shalt  }
0x65: {  	_ =	shalt  }
0x66: {  	_ =	shalt  }
0x67: {  	_ =	shalt  }
0x68: {  	_ =	shalt  }
0x69: {  	_ =	shalt  }
0x6a: {  	_ =	shalt  }
0x6b: {  	_ =	shalt  }
0x6c: {  	_ =	shalt  }
0x6d: {  	_ =	shalt  }
0x6e: {  	_ =	shalt  }
0x6f: {  	_ =	shalt  }
0x70: {  	_ =	shalt  }
0x71: {  	_ =	shalt  }
0x72: {  	_ =	shalt  }
0x73: {  	_ =	shalt  }
0x74: {  	_ =	shalt  }
0x75: {  	_ =	shalt  }
0x76: {  	_ =	shalt  }
0x77: {  	_ =	shalt  }
0x78: {  	_ =	shalt  }
0x79: {  	_ =	shalt  }
0x7a: {  	_ =	shalt  }
0x7b: {  	_ =	shalt  }
0x7c: {  	_ =	shalt  }
0x7d: {  	_ =	shalt  }
0x7e: {  	_ =	shalt  }
0x7f: {  	_ =	shalt  }
0x80: {  	_ =	shalt  }
0x81: {  	_ =	shalt  }
0x82: {  	_ =	shalt  }
0x83: {  	_ =	shalt  }
0x84: {  	_ =	shalt  }
0x85: {  	_ =	shalt  }
0x86: {  	_ =	shalt  }
0x87: {  	_ =	shalt  }
.Lfunc_end0:
.L_simem_size_0:
called_computation_lowered:
.L_overlay_start_0:
0x88: {  	s2 =	sld [smem:$0x3FD9]  }
0x89: {  	s3 =	sld [smem:$0x3FFE];
	_ =	sdelay $0x1  }
0x8a: {  	s1 =	srdreg.scid  }
0x8b: {  	s0 =	sand.u32 $0x1, s1  }
0x8c: {  	s14 =	sshll.u32 s0, $0xA;
	s2 =	sadd.s32 s3, s2  }
0x8d: {  	s2 =	sadd.s32 s2, s14  }
0x8e: {  	[smem:$0x3FC5] =	sst s2  }
0x8f: {  	_ = 	snop  }
0x90: {  	s2 =	sld [smem:$0x3FD0];
	_ =	sdelay $0x2  }
0x91: {  	s15 =	simm.s32 $0xA;
	s4 =	simm.s32 $0x10  }
0x92: {  	[smem:s4], [sflag:s15] =	dma.local [hbm:s2], $0x1  }
0x93: {  	_ =	swait.eq [sflag:s15], $0x1  }
0x94: {  	s16 =	sld [smem:$0x10];
	[sflag:s15] =	ssyncset.done $0x0  }
0x95: {  	s17 =	sld [smem:$0x11];
	[sflag:s15] =	ssyncadd.s32 $0xFFFFFFFF  }
0x96: {  	s18 =	sld [smem:$0x12];
	(tm) =	ssettm $0x1  }
0x97: {  	s5 =	sld [smem:$0x3FFB];
	_ =	sdelay $0x3  }
0x98: {  	_ =	strace s5  }
0x99: {  	s5 =	sld [smem:$0x3FFC];
	_ =	sdelay $0x3  }
0x9a: {  	_ =	strace s5  }
0x9b: {  	s5 =	sld [smem:$0x3FFD];
	_ =	sdelay $0x3  }
0x9c: {  	_ =	strace s5  }
0x9d: {  	_ =	strace $0x8FFFFFFF  }
0x9e: {  	s19 =	sld [smem:$0x3FDB];
	_ =	sdelay $0x1  }
0x9f: {  	s6 =	simm.s32 $_scs_section_size  }
0xa0: {  	s7 =	simm.s32 $_size__tile_overlayer_lowered;
	s8 =	simm.s32 $_tile_overlayer_lowered  }
0xa1: {  	s22 =	simm.s32 $0x1BFF;
	s21 =	sshll.u32 s8, $0x1;
	s5 =	sadd.s32 s6, s19  }
0xa2: {  	s9 =	simm.s32 $0x0;
	s20 =	sshll.u32 s7, $0x1;
	s7 =	sadd.s32 s21, s5  }
0xa3: {  	[timem:s9], [sflag:s22] =	dma.local [hbm:s7], s20  }
0xa4: {  	_ =	swait.ge [sflag:s22], s20  }
0xa5: {  	s6 =	ssub.s32 $0x0, s20;
	[sflag:s22] =	ssyncset.done $0x0  }
0xa6: {  	[sflag:s22] =	ssyncadd.s32 s6;
	_ =	sdelay $0x1  }
0xa7: {  	s23 =	simm.s32 $0x1B8B  }
0xa8: {  	_ =	swait.ge [sflag:s23], $0x1  }
0xa9: {  	[sflag:s23] =	ssyncset.done $0x0  }
0xaa: {  	s25 =	simm.s32 $0x1B8E;
	s24 =	sld [smem:$0x3FFE];
	[sflag:s23] =	ssyncadd.s32 $0xFFFFFFFF  }
0xab: {  	s26 =	simm.s32 $execute0_lowered;
	[smem:$0x3FD2] =	sst s25  }
0xac: {  	s7 =	sshll.u32 s26, $0x1;
	_ =	strace $0x80000046;
	[dreg:$0x1] =	wrdreg $0xFFFFFFFF  }
0xad: {  	s28 =	simm.s32 $_size_execute0_lowered;
	s5 =	sadd.s32 s5, s7;
	[dreg:$0x0] =	wrdreg $0x0  }
0xae: {  	s7 =	sshll.u32 s28, $0x1;
	[dreg:$0x2] =	wrdreg s5  }
0xaf: {  	[dreg:$0x3] =	wrdreg s7  }
0xb0: {  	[dreg:$0x4] =	wrdreg $0xC0  }
0xb1: {  	_ =	task [dreg:s9], $0x5FFFF  }
0xb2: {  	[dreg:$0x1] =	wrdreg $0xFFFFFFFF  }
0xb3: {  	[dreg:$0x0] =	wrdreg $0x60  }
0xb4: {  	[dreg:$0x2] =	wrdreg s17  }
0xb5: {  	[dreg:$0x3] =	wrdreg s24  }
0xb6: {  	[dreg:$0x4] =	wrdreg s16  }
0xb7: {  	[dreg:$0x5] =	wrdreg s18  }
0xb8: {  	[dreg:$0x6] =	wrdreg $0x9  }
0xb9: {  	_ =	task.clear_ibuf [dreg:s9], $0x7FFFF;
	_ =	strace $0x90000046  }
0xba: {  	s29 =	simm.s32 $0x9;
	_ =	strace $0x80000051  }
0xbb: {  	_ =	swait.ge [sflag:s29], $0x1  }
0xbc: {  	[sflag:s29] =	ssyncadd.s32 $0xFFFFFFFF  }
0xbd: {  	_ =	strace $0x90000051  }
0xbe: {  	_ =	sfence  }
0xbf: {  	s30 =	sld [smem:$0x0];
	_ =	sdelay $0x2  }
0xc0: {  	s31 =	sshll.u32 s1, $0xD;
	s1 =	sshrl.u32 s1, $0x2  }
0xc1: {  	s3 =	sand.u32 $0x4000, s31;
	s1 =	sadd.s32 s1, s30  }
0xc2: {  	s0 =	sor.u32 s3, s0;
	s1 =	sshll.u32 s1, $0x11  }
0xc3: {  	s0 =	sor.u32 s1, s0  }
0xc4: {  	s0 =	sadd.s32 $0x8F2B, s0  }
0xc5: {  	[sflag:s0] =	ssyncadd.remote.s32 $0x1  }
0xc6: {  	_ =	sfence.sel $0xFFFF  }
0xc7: {  	[dreg:$0x0] =	wrdreg $0xFFFFFFFF;
	(pc) =	sbr.abs _section_cstart, $3  }
0xc8: {  	[dreg:$0x1] =	wrdreg $0xFFFFFFFF  }
0xc9: {  	_ =	task.clear_ibuf [dreg:s9], $0x2FFFF;
	_ =	strace $0x9FFFFFFF  }
0xca: {  	(tm) =	ssettm $0x7FFFFFFF  }
0xcb: {  	_ =	shalt  }
tec
execute0_lowered:
.L_overlay_start_1:
0x0: {  	(tag) =	ssettag $0x1  }
0x1: {  	s1 =	rddreg [dreg:$0x0]  }
0x2: {  	s0 =	rddreg [dreg:$0x1]  }
0x3: {  	s2 =	rddreg [dreg:$0x2]  }
0x4: {  	s3 =	rddreg [dreg:$0x3];
	s4 =	srdreg.scid  }
0x5: {  	s5 =	simm.s32 $0x0;
	s7 =	stileid.u32;
	s4 =	sand.u32 $0x1, s4  }
0x6: {  	[smem:$0x7FF] =	sst s5;
	s0 =	sadd.s32 $0x800, s0;
	s6 =	sshll.u32 s4, $0x4  }
.Ltmp0:
0x7: {  	s4 =	ssub.s32 $0x2, s4;
	s6 =	sor.u32 s7, s6;
	(pc) =	sbr.rel .LBB2_1-.Ltmp0, $4  }
0x8: {  	_ =	strace $0x80000047;
	s30 =	sshrl.u32 s4, $0x1;
	s8 =	sshll.u32 s6, $0xA  }
0x9: {  	[dreg:$0x5] =	wrdreg s0;
	s0 =	ssub.s32 s4, s30;
	s31 =	sadd.s32 s1, s8  }
0xa: {  	s13 =	simm.s32 $0x6;
	s0 =	smax.u32 s0, $0x1;
	[dreg:$0x6] =	wrdreg s31  }
0xb: {  	v0 =	vimm.f32 $0.0e+00;
	s14 =	simm.s32 $0x0;
	s7 =	sshll.u32 s6, $0x1;
	[dreg:$0x7] =	wrdreg s0  }
.LBB2_8:
0xc: {  	s0 =	sand.u32 $0x1, s4  }
0xd: {  	_ =	strace $0x8000004E;
	s4 =	sadd.s32 $0x3, s0  }
0xe: {  	_ =	swait.ge [sflag:s4], $0x1000  }
0xf: {  	[sflag:s4] =	ssyncset.done $0x0  }
0x10: {  	[sflag:s4] =	ssyncadd.s32 $0xFFFFF000  }
0x11: {  	_ =	strace $0x9000004E  }
0x12: {  	s0 =	sadd.s32 $0x5, s0;
	_ =	strace $0x8000004F  }
0x13: {  	_ =	swait.ge [sflag:s0], $0x200  }
0x14: {  	[sflag:s0] =	ssyncset.done $0x0  }
0x15: {  	[sflag:s0] =	ssyncadd.s32 $0xFFFFFE00  }
0x16: {  	_ =	strace $0x9000004F  }
0x17: {  	s30 =	simm.s32 $0x4;
	_ =	strace $0x80000050  }
0x18: {  	_ =	swait.ge [sflag:s30], $0x1000  }
0x19: {  	[sflag:s30] =	ssyncset.done $0x0  }
0x1a: {  	[sflag:s30] =	ssyncadd.s32 $0xFFFFF000  }
0x1b: {  	_ =	swait.ge [sflag:s13], $0x200  }
0x1c: {  	s14 =	sadd.s32 $0x1, s14;
	s31 =	rddreg [dreg:$0x7]  }
0x1d: {  	p0 =	sne.s32 s14, s31  }
.Ltmp1:
0x1e: {  	_ = 	snop;
	(pc) =	sbr.rel @!p0 .LBB2_9-.Ltmp1, $4  }
0x1f: {  	_ = 	snop  }
0x20: {  	[sflag:s13] =	ssyncset.done $0x0  }
0x21: {  	[sflag:s13] =	ssyncadd.s32 $0xFFFFFE00  }
0x22: {  	_ =	strace $0x90000050  }
.LBB2_1:
0x23: {  	s0 =	rddreg [dreg:$0x5];
	s4 =	simm.s32 $0x2000;
	s30 =	simm.s32 $0x7  }
0x24: {  	[tilespmem:s4], [sflag:$0x7] =	stream.linear.gather [hbm4b:s0+s5], $0x80, $0x38;
	[tilespmem:$0x4480] =	vst v63  }
0x25: {  	_ =	swait.ge [sflag:s30], $0x80  }
0x26: {  	[sflag:s30] =	ssyncset.done $0x0  }
0x27: {  	[sflag:s30] =	ssyncadd.s32 $0xFFFFFF80  }
0x28: {  	p0 =	por $0x0, $0x0;
	s15 =	simm.s32 $0x0;
	_ =	strace $0x80000048  }
0x29: {  	s16 =	simm.s32 $0x0;
	s17 =	simm.s32 $0x1;
	s31 =	rddreg [dreg:$0x6]  }
0x2a: {  	[tilespmem:s5], [sflag:$0x1] =	stream.linear.gather [hbm4b:s31+s5], $0x1000, $0x200038;
	[tilespmem:$0x4480] =	vst v63  }
0x2b: {  	s4 =	simm.s32 $0x0;
	s0 =	simm.s32 $0x0;
	_ =	strace $0x90000048  }
.LBB2_2:
0x2c: {  	s18 =	sand.u32 $0x1, s16  }
0x2d: {  	s9 =	sshll.u32 s18, $0xC  }
0x2e: {  	s20 =	sor.u32 $0x2080, s9  }
0x2f: {  	s6 =	simm.s32 $0x1;
	s8 =	sshll.u32 s16, $0xC;
	v2 =	vmov s20  }
0x30: {  	s6 =	simm.s32 @!p0 $0x0;
	s8 =	sand.u32 $0x1000, s8  }
0x31: {  	s10 =	sshll.u32 s18, $0x9;
	s23 =	sadd.s32 $0x1, s18;
	s6 =	sshll.u32 s6, $0x9  }
0x32: {  	s19 =	sor.u32 $0x4080, s10;
	v1 =	vmov s8;
	s8 =	smov.u32 s4;
	s9 =	sor.u32 $0x4080, s6  }
.LBB2_3:
0x33: {  	s24 =	smov.u32 s15;
	s15 =	sadd.s32 $0x1, s15  }
0x34: {  	p1 =	seq.s32 s15, $0x2  }
0x35: {  	s15 =	simm.s32 @p1 $0x0  }
0x36: {  	p2 =	sne.s32 s0, $0x1;
	p1 =	sne.s32 s24, s15  }
0x37: {  	p1 =	por !p2, !p1  }
0x38: {  	p1 =	por !p1, !p1  }
0x39: {  	s21 =	smov.u32 s0;
	s0 =	sadd.s32 @p1 s7, s15  }
0x3a: {  	_ =	strace @p1 $0x80000049;
	s0 =	sshll.u32 @p1 s0, $0x9  }
0x3b: {  	s4 =	sand.u32 @p1 $0x1, s17;
	s10 =	simm.s32 @p1 $0x0;
	s0 =	sand.u32 @p1 $0x1FFFFE00, s0  }
0x3c: {  	s6 =	sshll.u32 @p1 s4, $0xC;
	s4 =	sadd.s32 @p1 $0x1, s4;
	s0 =	sadd.s32 @p1 s1, s0  }
0x3d: {  	[tilespmem:s6], [sflag:s4] =	stream.linear.gather @p1 [hbm4b:s0+s10], $0x1000, $0x200038;
	[tilespmem:$0x4480] =	vst v63  }
0x3e: {  	_ =	strace @p1 $0x90000049  }
0x3f: {  	_ =	strace $0x8000004A  }
0x40: {  	_ =	swait.ge [sflag:s23], $0x1000  }
0x41: {  	s26 =	simm.s32 $0x0;
	[sflag:s23] =	ssyncset.done $0x0  }
0x42: {  	s11 =	sand.u32 $0xC00, s26;
	s10 =	sand.u32 $0x70, s26;
	[sflag:s23] =	ssyncadd.s32 $0xFFFFF000  }
0x43: {  	s25 =	sor.u32 s10, s11;
	_ =	strace $0x9000004A  }
0x44: {  	s30 =	sor.u32 $0x80, s25;
	_ =	strace $0x8000004B  }
0x45: {  	v4 =	vld.idx.msk [tilespmem:v1+s30+$0x0 ss:$0x1], $0xffff  }
0x46: {  	v5 =	vld.idx.msk [tilespmem:v1+s25+$0x0 ss:$0x1], $0xffff  }
0x47: {  	s31 =	sor.u32 $0x100, s25  }
0x48: {  	s12 =	sor.u32 s11, s26;
	s28 =	sor.u32 $0x200, s25;
	v6 =	vld.idx.msk [tilespmem:v1+s31+$0x0 ss:$0x1], $0xffff  }
0x49: {  	s29 =	sor.u32 $0x180, s12;
	v7 =	vld.idx.msk [tilespmem:v1+s28+$0x0 ss:$0x1], $0xffff  }
0x4a: {  	v8 =	vld.idx.msk [tilespmem:v1+s29+$0x0 ss:$0x1], $0xffff;
	v3 =	vadd.f32 $-1.000000000e+00, v4  }
0x4b: {  	s0 =	sor.u32 $0x280, s25;
	v9 =	vadd.f32 $-1.000000000e+00, v5  }
0x4c: {  	s10 =	sor.u32 $0x300, s25;
	v11 =	vld.idx.msk [tilespmem:v1+s0+$0x0 ss:$0x1], $0xffff;
	v3 =	vmul.f32 $1.442695020e+00, v3  }
0x4d: {  	v13 =	vld.idx.msk [tilespmem:v1+s10+$0x0 ss:$0x1], $0xffff;
	v10 =	vadd.f32 $-1.000000000e+00, v6;
	v9 =	vmul.f32 $1.442695020e+00, v9  }
0x4e: {  	s22 =	sor.u32 s26, s26;
	v12 =	vadd.f32 $-1.000000000e+00, v7;
	(erf) = vpow2.f32 v3  }
0x4f: {  	s6 =	sor.u32 $0x380, s22;
	v14 =	vadd.f32 $-1.000000000e+00, v8;
	v10 =	vmul.f32 $1.442695020e+00, v10;
	v3 =	vld [tilespmem:$0x2000];
	(erf) = vpow2.f32 v9  }
0x50: {  	v12 =	vmul.f32 $1.442695020e+00, v12;
	v9 =	vld.idx.msk [tilespmem:v1+s6+$0x0 ss:$0x1], $0xffff  }
0x51: {  	v14 =	vmul.f32 $1.442695020e+00, v14;
	(erf) = vpow2.f32 v10;
	v10 =	vadd.f32 $-1.000000000e+00, v11  }
0x52: {  	(erf) = vpow2.f32 v12;
	v12 =	vadd.f32 $-1.000000000e+00, v13  }
0x53: {  	(erf) = vpow2.f32 v14;
	v10 =	vmul.f32 $1.442695020e+00, v10  }
0x54: {  	vm0 =	vgt.f32 v4, v3;
	v4 =	vmul.f32 $1.442695020e+00, v12  }
0x55: {  	v14 =	vadd.f32 $-1.000000000e+00, v9;
	_ =	sdelay $0x1  }
0x56: {  	vm1 =	vgt.f32 v5, v3;
	(erf) = vpow2.f32 v10;
	v5 =	vmul.f32 $1.442695020e+00, v14;
	v10 =	vpop (erf)  }
0x57: {  	v12 =	vsel vm1, $0x3F800000, v0;
	v14 =	vsel vm0, $0x3F800000, v0;
	(erf) = vpow2.f32 v4;
	v4 =	vpop (erf)  }
0x58: {  	vm0 =	vgt.f32 v6, v3;
	v16 =	vmul.f32 v10, v14;
	v15 =	vmul.f32 v4, v12  }
0x59: {  	vm1 =	vgt.f32 v8, v3;
	v8 =	vsel vm0, $0x3F800000, v0;
	v4 =	vpop (erf)  }
0x5a: {  	(erf) = vpow2.f32 v5;
	v5 =	vpop (erf);
	v17 =	vmul.f32 v4, v8;
	v4 =	vadd.f32 v16, v15  }
0x5b: {  	v10 =	vsel vm1, $0x3F800000, v0;
	v6 =	vpop (erf)  }
0x5c: {  	vm0 =	vgt.f32 v7, v3;
	v18 =	vmul.f32 v6, v10;
	v6 =	vadd.f32 v17, v4  }
0x5d: {  	v19 =	vsel vm0, $0x3F800000, v0  }
0x5e: {  	v4 =	vmul.f32 v5, v19;
	v6 =	vadd.f32 v18, v6  }
0x5f: {  	vm0 =	vgt.f32 v11, v3  }
0x60: {  	v11 =	vsel vm0, $0x3F800000, v0;
	v5 =	vpop (erf);
	v7 =	vadd.f32 v4, v6  }
0x61: {  	vm0 =	vgt.f32 v13, v3;
	v12 =	vadd.f32 v14, v12;
	v5 =	vmul.f32 v5, v11  }
0x62: {  	vm1 =	vgt.f32 v9, v3;
	v9 =	vsel vm0, $0x3F800000, v0;
	v6 =	vpop (erf)  }
0x63: {  	v8 =	vadd.f32 v8, v12;
	v13 =	vadd.f32 v5, v7;
	v6 =	vmul.f32 v6, v9  }
0x64: {  	v14 =	vsel vm1, $0x3F800000, v0;
	v7 =	vpop (erf)  }
0x65: {  	v8 =	vadd.f32 v10, v8;
	v7 =	vmul.f32 v7, v14;
	v12 =	vadd.f32 v6, v13;
	_ =	sdelay $0x1  }
0x66: {  	v8 =	vadd.f32 v19, v8;
	v10 =	vadd.f32 v7, v12;
	_ =	sdelay $0x1  }
0x67: {  	v8 =	vadd.f32 v11, v8;
	(erf) = vrcp.f32 v10;
	_ =	sdelay $0x1  }
0x68: {  	v8 =	vadd.f32 v9, v8;
	_ =	sdelay $0x1  }
0x69: {  	v9 =	vadd.f32 v14, v8;
	_ =	sdelay $0x1  }
0x6a: {  	v8 =	vtrunc.f32 v9;
	_ =	sdelay $0x2  }
0x6b: {  	v11 =	vcvt.f32.s32 v8;
	v8 =	vpop (erf)  }
0x6c: {  	v10 =	vmul.f32 v8, v15;
	v12 =	vmul.f32 v8, v16  }
0x6d: {  	s4 =	smov.u32 s8;
	s8 =	simm.s32 $0x10;
	s22 =	smov.u32 s9;
	vm0 =	vgt.f32 v9, $5.000000000e-01;
	[tilespmem:s9+$0x0] =	vst v11;
	v11 =	vmul.f32 v8, v17;
	v9 =	vmul.f32 v8, v18  }
.LBB2_4:
0x6e: {  	p2 =	sne.s32 s8, $0x1F0;
	v12 =	vnsel vm0, $0x3E000000, v12;
	v4 =	vmul.f32 v8, v4;
	v5 =	vmul.f32 v8, v5;
	s26 =	sadd.s32 $0x80, s26;
	s22 =	sadd.s32 $0x10, s22  }
0x6f: {  	v10 =	vnsel vm0, $0x3E000000, v10;
	v6 =	vmul.f32 v8, v6;
	s11 =	smov.u32 s8;
	s8 =	sadd.s32 $0x10, s8;
	[tilespmem:v2+s30+$0x0 ss:$0x1] =	vst.idx.msk $0xffff, v12;
	v11 =	vnsel vm0, $0x3E000000, v11  }
0x70: {  	v7 =	vmul.f32 v8, v7;
	[tilespmem:v2+s31+$0x0 ss:$0x1] =	vst.idx.msk $0xffff, v11  }
0x71: {  	s30 =	sand.u32 $0x70, s11;
	v8 =	vnsel vm0, $0x3E000000, v9;
	s31 =	sand.u32 $0xC00, s26;
	[tilespmem:v2+s25+$0x0 ss:$0x1] =	vst.idx.msk $0xffff, v10  }
0x72: {  	v4 =	vnsel vm0, $0x3E000000, v4;
	s25 =	sor.u32 s30, s31;
	s12 =	sor.u32 s31, s11;
	[tilespmem:v2+s29+$0x0 ss:$0x1] =	vst.idx.msk $0xffff, v8  }
0x73: {  	s30 =	sor.u32 $0x80, s25;
	[tilespmem:v2+s28+$0x0 ss:$0x1] =	vst.idx.msk $0xffff, v4;
	v4 =	vnsel vm0, $0x3E000000, v5  }
0x74: {  	[tilespmem:v2+s0+$0x0 ss:$0x1] =	vst.idx.msk $0xffff, v4;
	v4 =	vnsel vm0, $0x3E000000, v6  }
0x75: {  	s31 =	sor.u32 $0x100, s25;
	[tilespmem:v2+s10+$0x0 ss:$0x1] =	vst.idx.msk $0xffff, v4;
	v4 =	vnsel vm0, $0x3E000000, v7  }
0x76: {  	[tilespmem:v2+s6+$0x0 ss:$0x1] =	vst.idx.msk $0xffff, v4  }
0x77: {  	s29 =	sor.u32 $0x180, s12;
	v4 =	vld.idx.msk [tilespmem:v1+s30+$0x0 ss:$0x1], $0xffff  }
0x78: {  	v5 =	vld.idx.msk [tilespmem:v1+s25+$0x0 ss:$0x1], $0xffff  }
0x79: {  	s28 =	sor.u32 $0x200, s25;
	v6 =	vld.idx.msk [tilespmem:v1+s31+$0x0 ss:$0x1], $0xffff  }
0x7a: {  	v7 =	vld.idx.msk [tilespmem:v1+s28+$0x0 ss:$0x1], $0xffff  }
0x7b: {  	s0 =	sor.u32 $0x280, s25;
	v8 =	vld.idx.msk [tilespmem:v1+s29+$0x0 ss:$0x1], $0xffff  }
0x7c: {  	v9 =	vld.idx.msk [tilespmem:v1+s0+$0x0 ss:$0x1], $0xffff  }
0x7d: {  	s10 =	sor.u32 $0x300, s25;
	vm2 =	vgt.f32 v4, v3;
	v4 =	vadd.f32 $-1.000000000e+00, v4  }
0x7e: {  	s6 =	sor.u32 s26, s11;
	vm5 =	vgt.f32 v5, v3;
	v5 =	vadd.f32 $-1.000000000e+00, v5;
	v10 =	vld.idx.msk [tilespmem:v1+s10+$0x0 ss:$0x1], $0xffff  }
0x7f: {  	s6 =	sor.u32 $0x380, s6;
	v4 =	vmul.f32 $1.442695020e+00, v4;
	vm4 =	vgt.f32 v6, v3;
	v6 =	vadd.f32 $-1.000000000e+00, v6  }
0x80: {  	v5 =	vmul.f32 $1.442695020e+00, v5;
	vm0 =	vgt.f32 v7, v3;
	v7 =	vadd.f32 $-1.000000000e+00, v7;
	v11 =	vld.idx.msk [tilespmem:v1+s6+$0x0 ss:$0x1], $0xffff  }
0x81: {  	v6 =	vmul.f32 $1.442695020e+00, v6;
	v12 =	vadd.f32 $-1.000000000e+00, v8;
	(erf) = vpow2.f32 v4  }
0x82: {  	v4 =	vmul.f32 $1.442695020e+00, v7;
	v7 =	vadd.f32 $-1.000000000e+00, v9;
	(erf) = vpow2.f32 v5  }
0x83: {  	vm7 =	vgt.f32 v8, v3;
	v5 =	vmul.f32 $1.442695020e+00, v12;
	(erf) = vpow2.f32 v6  }
0x84: {  	v6 =	vmul.f32 $1.442695020e+00, v7;
	v7 =	vadd.f32 $-1.000000000e+00, v10;
	(erf) = vpow2.f32 v4  }
0x85: {  	vm6 =	vgt.f32 v9, v3;
	vm1 =	vgt.f32 v10, v3;
	(erf) = vpow2.f32 v5  }
0x86: {  	v4 =	vmul.f32 $1.442695020e+00, v7;
	v5 =	vadd.f32 $-1.000000000e+00, v11;
	(erf) = vpow2.f32 v6  }
0x87: {  	vm3 =	vgt.f32 v11, v3  }
0x88: {  	v5 =	vmul.f32 $1.442695020e+00, v5;
	(erf) = vpow2.f32 v4;
	_ =	sdelay $0x1  }
0x89: {  	v4 =	vpop (erf);
	(erf) = vpow2.f32 v5  }
0x8a: {  	v8 =	vsel vm5, $0x3F800000, v0;
	v6 =	vsel vm2, $0x3F800000, v0;
	v7 =	vpop (erf)  }
0x8b: {  	v11 =	vmul.f32 v4, v6;
	v4 =	vadd.f32 v6, v8;
	v9 =	vmul.f32 v7, v8;
	v5 =	vpop (erf)  }
0x8c: {  	v8 =	vsel vm4, $0x3F800000, v0;
	v7 =	vpop (erf)  }
0x8d: {  	v13 =	vmul.f32 v5, v8;
	v4 =	vadd.f32 v8, v4;
	v5 =	vadd.f32 v11, v9;
	v6 =	vpop (erf)  }
0x8e: {  	v8 =	vsel vm7, $0x3F800000, v0;
	v10 =	vpop (erf)  }
0x8f: {  	v14 =	vmul.f32 v6, v8;
	v6 =	vadd.f32 v8, v4;
	v5 =	vadd.f32 v13, v5  }
0x90: {  	v8 =	vsel vm0, $0x3F800000, v0;
	v12 =	vpop (erf)  }
0x91: {  	v4 =	vmul.f32 v7, v8;
	v6 =	vadd.f32 v8, v6;
	v7 =	vadd.f32 v14, v5  }
0x92: {  	v8 =	vsel vm6, $0x3F800000, v0;
	v15 =	vpop (erf)  }
0x93: {  	v5 =	vmul.f32 v10, v8;
	v8 =	vadd.f32 v8, v6;
	v7 =	vadd.f32 v4, v7  }
0x94: {  	v10 =	vsel vm1, $0x3F800000, v0  }
0x95: {  	v6 =	vmul.f32 v12, v10;
	v8 =	vadd.f32 v10, v8;
	v12 =	vadd.f32 v5, v7  }
0x96: {  	v10 =	vsel vm3, $0x3F800000, v0  }
0x97: {  	v7 =	vmul.f32 v15, v10;
	v15 =	vadd.f32 v10, v8;
	v12 =	vadd.f32 v6, v12;
	_ =	sdelay $0x1  }
0x98: {  	v10 =	vtrunc.f32 v15;
	v8 =	vadd.f32 v7, v12  }
0x99: {  	v10 =	vcvt.f32.s32 v10  }
0x9a: {  	(erf) = vrcp.f32 v8  }
0x9b: {  	[tilespmem:s22+$0x0] =	vst v10;
	_ =	sdelay $0x5  }
.Ltmp2:
0x9c: {  	(pc) =	sbr.rel @p2 .LBB2_4-.Ltmp2, $4  }
0x9d: {  	_ = 	snop  }
0x9e: {  	v8 =	vpop (erf)  }
0x9f: {  	v10 =	vmul.f32 v8, v9;
	v12 =	vmul.f32 v8, v11  }
0xa0: {  	vm0 =	vgt.f32 v15, $5.000000000e-01;
	v11 =	vmul.f32 v8, v13;
	v9 =	vmul.f32 v8, v14  }
0xa1: {  	_ =	sdelay $0x2  }
0xa2: {  	v3 =	vnsel vm0, $0x3E000000, v12  }
0xa3: {  	[tilespmem:v2+s30+$0x0 ss:$0x1] =	vst.idx.msk $0xffff, v3;
	v3 =	vnsel vm0, $0x3E000000, v11  }
0xa4: {  	v10 =	vnsel vm0, $0x3E000000, v10;
	[tilespmem:v2+s31+$0x0 ss:$0x1] =	vst.idx.msk $0xffff, v3;
	v3 =	vmul.f32 v8, v5  }
0xa5: {  	[tilespmem:v2+s25+$0x0 ss:$0x1] =	vst.idx.msk $0xffff, v10;
	v62 =	vnsel vm0, $0x3E000000, v9  }
0xa6: {  	[tilespmem:v2+s29+$0x0 ss:$0x1] =	vst.idx.msk $0xffff, v62;
	v3 =	vnsel vm0, $0x3E000000, v3  }
0xa7: {  	p2 =	seq.s32 s21, $0x1;
	[tilespmem:v2+s0+$0x0 ss:$0x1] =	vst.idx.msk $0xffff, v3;
	s0 =	simm.s32 $0x1  }
0xa8: {  	v4 =	vmul.f32 v8, v4;
	s0 =	simm.s32 @!p1 $0x0;
	p1 =	seq.s32 @!p2 s24, s15  }
0xa9: {  	v6 =	vmul.f32 v8, v6;
	p1 =	por p2, !p1  }
.Ltmp3:
0xaa: {  	v63 =	vmul.f32 v8, v7;
	v4 =	vnsel vm0, $0x3E000000, v4;
	(pc) =	sbr.rel @!p1 .LBB2_3-.Ltmp3, $4  }
0xab: {  	[tilespmem:v2+s28+$0x0 ss:$0x1] =	vst.idx.msk $0xffff, v4;
	v3 =	vnsel vm0, $0x3E000000, v6  }
0xac: {  	[tilespmem:v2+s10+$0x0 ss:$0x1] =	vst.idx.msk $0xffff, v3;
	v3 =	vnsel vm0, $0x3E000000, v63  }
0xad: {  	s8 =	sadd.s32 s21, s4;
	[tilespmem:v2+s6+$0x0 ss:$0x1] =	vst.idx.msk $0xffff, v3  }
0xae: {  	s17 =	sadd.s32 s0, s17;
	s0 =	simm.s32 $0x1;
	_ =	strace $0x9000004B  }
0xaf: {  	s0 =	sadd.s32 s7, s24  }
0xb0: {  	s6 =	sshll.u32 s0, $0x9  }
0xb1: {  	_ =	strace $0x8000004C;
	s6 =	sand.u32 $0x1FFFFE00, s6  }
0xb2: {  	s8 =	sadd.s32 $0x3, s18;
	p1 =	sne.s32 s21, $0x0;
	s6 =	sadd.s32 s2, s6  }
0xb3: {  	[hbm4b:s6+s5] =	stream.linear.scatter [tilespmem:s20], [sflag:s8], $0x1000, $0x200038;
	[tilespmem:$0x4480] =	vst v63  }
.Ltmp4:
0xb4: {  	s0 =	sshll.u32 s0, $0x6;
	(pc) =	sbr.rel @p1 .LBB2_8-.Ltmp4, $4  }
0xb5: {  	s0 =	sand.u32 $0x1FFFFFC0, s0;
	_ =	strace $0x9000004C  }
0xb6: {  	s31 =	sadd.s32 $0x5, s18;
	s0 =	sadd.s32 s3, s0;
	_ =	strace $0x8000004D  }
0xb7: {  	[hbm4b:s0+s5] =	stream.linear.scatter [tilespmem:s19], [sflag:s31], $0x200, $0x200038;
	[tilespmem:$0x4480] =	vst v63  }
0xb8: {  	_ =	strace $0x9000004D  }
.Ltmp5:
0xb9: {  	(pc) =	sbr.rel .LBB2_2-.Ltmp5, $2  }
0xba: {  	_ =	sdelay $0x2  }
0xbb: {  	s16 =	sadd.s32 $0x1, s16;
	p0 =	por !p0, !p0;
	s0 =	simm.s32 $0x1  }
.LBB2_9:
0xbc: {  	_ =	sfence.sel $0x180000  }
0xbd: {  	[bflag:$0x0] =	sbarrier.arrive $0xFFFF  }
0xbe: {  	_ =	strace $0x90000047  }
0xbf: {  	s0 =	stileid.u32;
	[bflag:$0x2] =	sbarrier.arrive $0xFFFF  }
0xc0: {  	p0 =	sne.s32 s0, $0x0;
	s0 =	rddreg [dreg:$0x4]  }
0xc1: {  	s0 =	sadd.s32 @!p0 $0x100000, s0  }
0xc2: {  	[sflag:s0] =	ssyncadd.tile.s32 @!p0 $0x1;
	_ =	shalt  }
.Lfunc_end2:
_tile_overlayer_lowered:
.L_overlay_start_2:
0xc3: {  	(tag) =	ssettag $0x2  }
0xc4: {  	s0 =	rddreg [dreg:$0x0];
	s2 =	stileid.u32  }
0xc5: {  	s1 =	rddreg [dreg:$0x1];
	p0 =	sne.s32 s2, $0x0  }
0xc6: {  	s3 =	rddreg [dreg:$0x2];
	[bflag:$0x3] =	sbarrier.arrive $0xFFFF;
	s2 =	simm.s32 @!p0 $0x1C01  }
0xc7: {  	[timem:s3], [sflag:s2] =	dma.local @!p0 [hbm:s0], s1  }
0xc8: {  	s0 =	simm.s32 @!p0 $0x1  }
0xc9: {  	_ =	swait.ge @!p0 [sflag:s0], s1  }
0xca: {  	s1 =	ssub.s32 @!p0 $0x0, s1;
	[sflag:s0] =	ssyncset.done @!p0 $0x0  }
0xcb: {  	[sflag:s0] =	ssyncadd.s32 @!p0 s1  }
0xcc: {  	[bflag:$0x3] =	sbarrier.arrive $0xFFFF  }
0xcd: {  	_ =	shalt  }

</sc_bundles>
